<compile_context>
chip_gen: v7x
topology: tpu7x:2x2x1
jax: 0.10.2.dev20260603
libtpu: 0.0.44.dev20260713+nightly
codegen_flags: <defaults>
</compile_context>

<pallas_src>
import functools

import jax
import jax.numpy as jnp
from jax import lax
from jax.experimental import pallas as pl
from jax.experimental.pallas import tpu as pltpu
from jax.experimental.pallas import tpu_sc as plsc

_VOCAB = 1_000_000
_DIM = 32
_BATCH = 16384

_NC = 2
_NS = 16
_L = 16
_NW = _NC * _NS
_BPW = _BATCH // _NW
_B = 4
_NBLK = _BPW // _B
_TAIL0 = (_VOCAB // 128) * 128
_NTAIL = _VOCAB - _TAIL0
_WROWS = _B * _DIM

_mesh = plsc.VectorSubcoreMesh(core_axis_name="c", subcore_axis_name="s")


@functools.partial(
    pl.kernel,
    mesh=_mesh,
    out_type=jax.ShapeDtypeStruct((_BATCH,), jnp.float32),
    compiler_params=pltpu.CompilerParams(needs_layout_passes=False),
    scratch_types=[
        pltpu.VMEM((_BPW + _L,), jnp.int32),
        pltpu.VMEM((_BPW + _L,), jnp.int32),

        pltpu.VMEM((3 * _WROWS, 128), jnp.float32),
        pltpu.VMEM((3 * _WROWS, 128), jnp.float32),
        pltpu.VMEM((_NTAIL * _DIM,), jnp.float32),
        pltpu.VMEM((_BPW,), jnp.float32),
        pltpu.SemaphoreType.DMA,
        pltpu.SemaphoreType.DMA,
    ],
)
def _w2v_kernel(w1_hbm, w2_hbm, embt_hbm, tail_hbm, out_hbm,
                idx1_v, idx2_v, w1buf, w2buf, tbuf, out_v,
                sem1, sem2):
    wid = lax.axis_index("s") * _NC + lax.axis_index("c")
    base = wid * _BPW

    pltpu.sync_copy(w1_hbm.at[wid], idx1_v.at[pl.ds(0, _BPW)])
    pltpu.sync_copy(w2_hbm.at[wid], idx2_v.at[pl.ds(0, _BPW)])
    pltpu.sync_copy(tail_hbm, tbuf)

    iota16 = lax.iota(jnp.int32, _L)
    maxq = (_TAIL0 // 128) - 1

    def issue_block(g, slot):
        iv1 = idx1_v[pl.ds(g * _B, _L)]
        iv2 = idx2_v[pl.ds(g * _B, _L)]
        q1 = jnp.minimum(iv1 >> 7, maxq) * 128
        q2 = jnp.minimum(iv2 >> 7, maxq) * 128
        for s in range(_B):
            row = slot * _WROWS + s * _DIM
            pltpu.make_async_copy(
                embt_hbm.at[pl.ds(0, _DIM),
                            pl.ds(pl.multiple_of(q1[s], 128), 128)],
                w1buf.at[pl.ds(row, _DIM), :], sem1).start()
            pltpu.make_async_copy(
                embt_hbm.at[pl.ds(0, _DIM),
                            pl.ds(pl.multiple_of(q2[s], 128), 128)],
                w2buf.at[pl.ds(row, _DIM), :], sem2).start()

    def drain_block(slot):
        rows = pl.ds(slot * _WROWS, _WROWS)
        pltpu.make_async_copy(embt_hbm.at[pl.ds(0, _WROWS), pl.ds(0, 128)],
                              w1buf.at[rows, :], sem1).wait()
        pltpu.make_async_copy(embt_hbm.at[pl.ds(0, _WROWS), pl.ds(0, 128)],
                              w2buf.at[rows, :], sem2).wait()

    def extract_block(g, slot, acc):
        iv1 = idx1_v[pl.ds(g * _B, _L)]
        iv2 = idx2_v[pl.ds(g * _B, _L)]
        q1 = jnp.minimum(iv1 >> 7, maxq) * 128
        q2 = jnp.minimum(iv2 >> 7, maxq) * 128
        col1 = iv1 - q1
        col2 = iv2 - q2
        for s in range(_B):
            dvec = iota16
            wrow_lo = slot * _WROWS + s * _DIM + dvec
            wrow_hi = wrow_lo + _L
            c1 = jnp.full((_L,), 1, jnp.int32) * col1[s]
            c2 = jnp.full((_L,), 1, jnp.int32) * col2[s]
            a_lo = plsc.load_gather(w1buf, [wrow_lo, c1])
            a_hi = plsc.load_gather(w1buf, [wrow_hi, c1])
            b_lo = plsc.load_gather(w2buf, [wrow_lo, c2])
            b_hi = plsc.load_gather(w2buf, [wrow_hi, c2])
            tr1 = jnp.clip(iv1[s] - _TAIL0, 0, _NTAIL - 1) * _DIM
            tr2 = jnp.clip(iv2[s] - _TAIL0, 0, _NTAIL - 1) * _DIM
            at_lo = plsc.load_gather(tbuf, [tr1 + dvec])
            at_hi = plsc.load_gather(tbuf, [tr1 + _L + dvec])
            bt_lo = plsc.load_gather(tbuf, [tr2 + dvec])
            bt_hi = plsc.load_gather(tbuf, [tr2 + _L + dvec])
            is_t1 = iv1[s] >= _TAIL0
            is_t2 = iv2[s] >= _TAIL0
            a_lo = jnp.where(is_t1, at_lo, a_lo)
            a_hi = jnp.where(is_t1, at_hi, a_hi)
            b_lo = jnp.where(is_t2, bt_lo, b_lo)
            b_hi = jnp.where(is_t2, bt_hi, b_hi)
            dot = jnp.sum(a_lo * b_lo + a_hi * b_hi)
            lane = (g * _B + s) % _L
            acc = jnp.where(iota16 == lane, dot, acc)
        return acc

    issue_block(0, 0)
    issue_block(1, 1)

    def body(g, acc):
        slot = g % 3

        @pl.when(g + 2 < _NBLK)
        def _():
            issue_block(g + 2, (g + 2) % 3)

        drain_block(slot)
        acc = extract_block(g, slot, acc)

        @pl.when((g & 3) == 3)
        def _():
            out_v[pl.ds((g - 3) * _B, _L)] = 1.0 / (1.0 + jnp.exp(-acc))

        return acc

    lax.fori_loop(0, _NBLK, body, jnp.zeros((_L,), jnp.float32))

    pltpu.sync_copy(out_v, out_hbm.at[pl.ds(base, _BPW)])


def kernel(word1, word2, emb):
    w1 = word1.astype(jnp.int32).reshape(_NW, _BPW)
    w2 = word2.astype(jnp.int32).reshape(_NW, _BPW)
    embt = emb.T
    tail = emb[_TAIL0:, :].reshape(_NTAIL * _DIM)
    return _w2v_kernel(w1, w2, embt, tail)

# --- scband reference (transcript-rebuilt; emitter-appended) ---
"""Pipeline reference for scband-word2-vec-binary-43559558316806 (READ-ONLY COPY).

The authoritative reference and input builder live on the scoring server;
editing this copy changes nothing except your own understanding.
"""

import jax, jax.numpy as jnp
import numpy as np

VOCAB = 1000000
DIM = 32
BATCH = 16384


def setup_inputs(seed: int = 0) -> dict:
    key = jax.random.key(seed)
    k1, k2, k3 = jax.random.split(key, 3)
    word1 = jax.random.randint(k1, (BATCH,), 0, VOCAB, dtype=jnp.int64 if jax.config.read('jax_enable_x64') else jnp.int32)
    word2 = jax.random.randint(k2, (BATCH,), 0, VOCAB, dtype=jnp.int64 if jax.config.read('jax_enable_x64') else jnp.int32)
    emb = jax.random.normal(k3, (VOCAB, DIM), dtype=jnp.float32)
    return {"word1": word1, "word2": word2, "emb": emb}


def reference(word1, word2, emb):
    embed_word1 = jnp.take(emb, word1, axis=0)
    embed_word2 = jnp.take(emb, word2, axis=0)
    similarity = jnp.sum(embed_word1 * embed_word2, axis=1)
    return jax.nn.sigmoid(similarity)

if __name__ == "__main__":
    import jax
    _d = setup_inputs()
    print(jax.jit(kernel)(*tuple(_d.values())))

</pallas_src>

<mosaic_0001>
#map = affine_map<(d0, d1) -> (0, 0)>
#map1 = affine_map<(d0, d1) -> (0)>
module attributes {stable_mosaic.version = 14 : i64} {
  func.func @_w2v_kernel(%arg0: i32, %arg1: i32, %arg2: memref<32x512xi32, #tpu.memory_space<hbm>>, %arg3: memref<32x512xi32, #tpu.memory_space<hbm>>, %arg4: memref<32x1000000xf32, #tpu.memory_space<hbm>>, %arg5: memref<2048xf32, #tpu.memory_space<hbm>>, %arg6: memref<16384xf32, #tpu.memory_space<hbm>>, %arg7: memref<528xi32, #tpu.memory_space<vmem>>, %arg8: memref<528xi32, #tpu.memory_space<vmem>>, %arg9: memref<384x128xf32, #tpu.memory_space<vmem>>, %arg10: memref<384x128xf32, #tpu.memory_space<vmem>>, %arg11: memref<2048xf32, #tpu.memory_space<vmem>>, %arg12: memref<512xf32, #tpu.memory_space<vmem>>, %arg13: memref<!tpu.dma_semaphore, #tpu.memory_space<semaphore_mem>>, %arg14: memref<!tpu.dma_semaphore, #tpu.memory_space<semaphore_mem>>) attributes {dimension_semantics = [#tpu.dimension_semantics<core_parallel>, #tpu.dimension_semantics<subcore_parallel>], iteration_bounds = array<i64: 2, 16>, scalar_prefetch = 0 : i64, scratch_operands = 8 : i64, tpu.core_type = #tpu.core_type<sc_vector_subcore>, window_params = [{transform_indices = #map}, {transform_indices = #map}, {transform_indices = #map}, {transform_indices = #map1}, {transform_indices = #map1}]} {
    %mul3A = arith.constant 2 : i32
    %mul3A_0 = arith.muli %arg1, %mul3A : i32
    %add3A = arith.addi %mul3A_0, %arg0 : i32
    %mul3A_1 = arith.constant 512 : i32
    %mul3A_2 = arith.muli %add3A, %mul3A_1 : i32
    "tpu.region"() ({
      %run_scoped3A = tpu.sem_alloc : memref<!tpu.dma_semaphore, #tpu.memory_space<semaphore_mem>>
      %dma_start3A_254 = arith.constant 0 : i32
      %dma_start3A_255 = tpu.memref_slice %arg7[%dma_start3A_254] : memref<528xi32, #tpu.memory_space<vmem>> -> memref<512xi32, #tpu.memory_space<vmem>>
      %dma_start3A_256 = arith.constant 0 : i32
      %dma_start3A_257 = tpu.memref_slice %arg2[%add3A, %dma_start3A_256] : memref<32x512xi32, #tpu.memory_space<hbm>> -> memref<1x512xi32, #tpu.memory_space<hbm>>
      %dma_start3A_258 = tpu.memref_squeeze %dma_start3A_257 : memref<1x512xi32, #tpu.memory_space<hbm>> -> memref<512xi32, #tpu.memory_space<hbm>>
      %dma_start3A_259 = arith.constant 0 : i32
      %dma_start3A_260 = tpu.memref_slice %arg7[%dma_start3A_259] : memref<528xi32, #tpu.memory_space<vmem>> -> memref<512xi32, #tpu.memory_space<vmem>>
      %dma_start3A_261 = arith.constant 0 : i32
      %dma_start3A_262 = tpu.memref_slice %arg2[%add3A, %dma_start3A_261] : memref<32x512xi32, #tpu.memory_space<hbm>> -> memref<1x512xi32, #tpu.memory_space<hbm>>
      %dma_start3A_263 = tpu.memref_squeeze %dma_start3A_262 : memref<1x512xi32, #tpu.memory_space<hbm>> -> memref<512xi32, #tpu.memory_space<hbm>>
      tpu.enqueue_dma source(%dma_start3A_263 : memref<512xi32, #tpu.memory_space<hbm>>) target(%dma_start3A_260 : memref<512xi32, #tpu.memory_space<vmem>>) target_semaphore(%run_scoped3A : memref<!tpu.dma_semaphore, #tpu.memory_space<semaphore_mem>>)
      %dma_wait3A = arith.constant 0 : i32
      %dma_wait3A_264 = tpu.memref_slice %arg7[%dma_wait3A] : memref<528xi32, #tpu.memory_space<vmem>> -> memref<512xi32, #tpu.memory_space<vmem>>
      %dma_wait3A_265 = arith.constant 0 : i32
      %dma_wait3A_266 = tpu.memref_slice %arg2[%add3A, %dma_wait3A_265] : memref<32x512xi32, #tpu.memory_space<hbm>> -> memref<1x512xi32, #tpu.memory_space<hbm>>
      %dma_wait3A_267 = tpu.memref_squeeze %dma_wait3A_266 : memref<1x512xi32, #tpu.memory_space<hbm>> -> memref<512xi32, #tpu.memory_space<hbm>>
      %dma_wait3A_268 = arith.constant 0 : i32
      %dma_wait3A_269 = tpu.memref_slice %arg7[%dma_wait3A_268] : memref<528xi32, #tpu.memory_space<vmem>> -> memref<512xi32, #tpu.memory_space<vmem>>
      %dma_wait3A_270 = arith.constant 0 : i32
      %dma_wait3A_271 = tpu.memref_slice %arg2[%add3A, %dma_wait3A_270] : memref<32x512xi32, #tpu.memory_space<hbm>> -> memref<1x512xi32, #tpu.memory_space<hbm>>
      %dma_wait3A_272 = tpu.memref_squeeze %dma_wait3A_271 : memref<1x512xi32, #tpu.memory_space<hbm>> -> memref<512xi32, #tpu.memory_space<hbm>>
      tpu.wait_dma2 semaphore(%run_scoped3A : memref<!tpu.dma_semaphore, #tpu.memory_space<semaphore_mem>>) src(%dma_wait3A_272 : memref<512xi32, #tpu.memory_space<hbm>>) dst(%dma_wait3A_269 : memref<512xi32, #tpu.memory_space<vmem>>)
      tpu.yield
    }) : () -> ()
    "tpu.region"() ({
      %run_scoped3A = tpu.sem_alloc : memref<!tpu.dma_semaphore, #tpu.memory_space<semaphore_mem>>
      %dma_start3A_254 = arith.constant 0 : i32
      %dma_start3A_255 = tpu.memref_slice %arg8[%dma_start3A_254] : memref<528xi32, #tpu.memory_space<vmem>> -> memref<512xi32, #tpu.memory_space<vmem>>
      %dma_start3A_256 = arith.constant 0 : i32
      %dma_start3A_257 = tpu.memref_slice %arg3[%add3A, %dma_start3A_256] : memref<32x512xi32, #tpu.memory_space<hbm>> -> memref<1x512xi32, #tpu.memory_space<hbm>>
      %dma_start3A_258 = tpu.memref_squeeze %dma_start3A_257 : memref<1x512xi32, #tpu.memory_space<hbm>> -> memref<512xi32, #tpu.memory_space<hbm>>
      %dma_start3A_259 = arith.constant 0 : i32
      %dma_start3A_260 = tpu.memref_slice %arg8[%dma_start3A_259] : memref<528xi32, #tpu.memory_space<vmem>> -> memref<512xi32, #tpu.memory_space<vmem>>
      %dma_start3A_261 = arith.constant 0 : i32
      %dma_start3A_262 = tpu.memref_slice %arg3[%add3A, %dma_start3A_261] : memref<32x512xi32, #tpu.memory_space<hbm>> -> memref<1x512xi32, #tpu.memory_space<hbm>>
      %dma_start3A_263 = tpu.memref_squeeze %dma_start3A_262 : memref<1x512xi32, #tpu.memory_space<hbm>> -> memref<512xi32, #tpu.memory_space<hbm>>
      tpu.enqueue_dma source(%dma_start3A_263 : memref<512xi32, #tpu.memory_space<hbm>>) target(%dma_start3A_260 : memref<512xi32, #tpu.memory_space<vmem>>) target_semaphore(%run_scoped3A : memref<!tpu.dma_semaphore, #tpu.memory_space<semaphore_mem>>)
      %dma_wait3A = arith.constant 0 : i32
      %dma_wait3A_264 = tpu.memref_slice %arg8[%dma_wait3A] : memref<528xi32, #tpu.memory_space<vmem>> -> memref<512xi32, #tpu.memory_space<vmem>>
      %dma_wait3A_265 = arith.constant 0 : i32
      %dma_wait3A_266 = tpu.memref_slice %arg3[%add3A, %dma_wait3A_265] : memref<32x512xi32, #tpu.memory_space<hbm>> -> memref<1x512xi32, #tpu.memory_space<hbm>>
      %dma_wait3A_267 = tpu.memref_squeeze %dma_wait3A_266 : memref<1x512xi32, #tpu.memory_space<hbm>> -> memref<512xi32, #tpu.memory_space<hbm>>
      %dma_wait3A_268 = arith.constant 0 : i32
      %dma_wait3A_269 = tpu.memref_slice %arg8[%dma_wait3A_268] : memref<528xi32, #tpu.memory_space<vmem>> -> memref<512xi32, #tpu.memory_space<vmem>>
      %dma_wait3A_270 = arith.constant 0 : i32
      %dma_wait3A_271 = tpu.memref_slice %arg3[%add3A, %dma_wait3A_270] : memref<32x512xi32, #tpu.memory_space<hbm>> -> memref<1x512xi32, #tpu.memory_space<hbm>>
      %dma_wait3A_272 = tpu.memref_squeeze %dma_wait3A_271 : memref<1x512xi32, #tpu.memory_space<hbm>> -> memref<512xi32, #tpu.memory_space<hbm>>
      tpu.wait_dma2 semaphore(%run_scoped3A : memref<!tpu.dma_semaphore, #tpu.memory_space<semaphore_mem>>) src(%dma_wait3A_272 : memref<512xi32, #tpu.memory_space<hbm>>) dst(%dma_wait3A_269 : memref<512xi32, #tpu.memory_space<vmem>>)
      tpu.yield
    }) : () -> ()
    "tpu.region"() ({
      %run_scoped3A = tpu.sem_alloc : memref<!tpu.dma_semaphore, #tpu.memory_space<semaphore_mem>>
      tpu.enqueue_dma source(%arg5 : memref<2048xf32, #tpu.memory_space<hbm>>) target(%arg11 : memref<2048xf32, #tpu.memory_space<vmem>>) target_semaphore(%run_scoped3A : memref<!tpu.dma_semaphore, #tpu.memory_space<semaphore_mem>>)
      tpu.wait_dma2 semaphore(%run_scoped3A : memref<!tpu.dma_semaphore, #tpu.memory_space<semaphore_mem>>) src(%arg5 : memref<2048xf32, #tpu.memory_space<hbm>>) dst(%arg11 : memref<2048xf32, #tpu.memory_space<vmem>>)
      tpu.yield
    }) : () -> ()
    %iota3A = tpu.iota {dimensions = array<i32: 0>} : vector<16xi32>
    %get3A = arith.constant 0 : index
    %get3A_3 = tpu.vector_load %arg7[%get3A] {strides = array<i32>} : memref<528xi32, #tpu.memory_space<vmem>>, vector<16xi32>,
    %get3A_4 = arith.constant 0 : index
    %get3A_5 = tpu.vector_load %arg8[%get3A_4] {strides = array<i32>} : memref<528xi32, #tpu.memory_space<vmem>>, vector<16xi32>,
    %shift_right_arithmetic3A = arith.constant 7 : i32
    %shift_right_arithmetic3A_6 = vector.broadcast %shift_right_arithmetic3A : i32 to vector<16xi32>
    %shift_right_arithmetic3A_7 = arith.shrsi %get3A_3, %shift_right_arithmetic3A_6 : vector<16xi32>
    %min3A = arith.constant 7811 : i32
    %min3A_8 = vector.broadcast %min3A : i32 to vector<16xi32>
    %min3A_9 = arith.minsi %shift_right_arithmetic3A_7, %min3A_8 : vector<16xi32>
    %mul3A_10 = arith.constant 128 : i32
    %mul3A_11 = vector.broadcast %mul3A_10 : i32 to vector<16xi32>
    %mul3A_12 = arith.muli %min3A_9, %mul3A_11 : vector<16xi32>
    %shift_right_arithmetic3A_13 = arith.constant 7 : i32
    %shift_right_arithmetic3A_14 = vector.broadcast %shift_right_arithmetic3A_13 : i32 to vector<16xi32>
    %shift_right_arithmetic3A_15 = arith.shrsi %get3A_5, %shift_right_arithmetic3A_14 : vector<16xi32>
    %min3A_16 = arith.constant 7811 : i32
    %min3A_17 = vector.broadcast %min3A_16 : i32 to vector<16xi32>
    %min3A_18 = arith.minsi %shift_right_arithmetic3A_15, %min3A_17 : vector<16xi32>
    %mul3A_19 = arith.constant 128 : i32
    %mul3A_20 = vector.broadcast %mul3A_19 : i32 to vector<16xi32>
    %mul3A_21 = arith.muli %min3A_18, %mul3A_20 : vector<16xi32>
    %slice3A = vector.extract_strided_slice %mul3A_12 {offsets = [0], sizes = [1], strides = [1]} : vector<16xi32> to vector<1xi32>
    %squeeze3A = vector.extract %slice3A[0] : i32 from vector<1xi32>
    %multiple_of3A = tpu.assume_multiple %squeeze3A, 128 : i32
    %dma_start3A = arith.constant 0 : i32
    %dma_start3A_22 = arith.constant 0 : i32
    %dma_start3A_23 = tpu.memref_slice %arg9[%dma_start3A, %dma_start3A_22] : memref<384x128xf32, #tpu.memory_space<vmem>> -> memref<32x128xf32, #tpu.memory_space<vmem>>
    %dma_start3A_24 = arith.constant 0 : i32
    %dma_start3A_25 = tpu.memref_slice %arg4[%dma_start3A_24, %multiple_of3A] : memref<32x1000000xf32, #tpu.memory_space<hbm>> -> memref<32x128xf32, #tpu.memory_space<hbm>>
    %dma_start3A_26 = arith.constant 0 : i32
    %dma_start3A_27 = arith.constant 0 : i32
    %dma_start3A_28 = tpu.memref_slice %arg9[%dma_start3A_26, %dma_start3A_27] : memref<384x128xf32, #tpu.memory_space<vmem>> -> memref<32x128xf32, #tpu.memory_space<vmem>>
    %dma_start3A_29 = arith.constant 0 : i32
    %dma_start3A_30 = tpu.memref_slice %arg4[%dma_start3A_29, %multiple_of3A] : memref<32x1000000xf32, #tpu.memory_space<hbm>> -> memref<32x128xf32, #tpu.memory_space<hbm>>
    tpu.enqueue_dma source(%dma_start3A_30 : memref<32x128xf32, #tpu.memory_space<hbm>>) target(%dma_start3A_28 : memref<32x128xf32, #tpu.memory_space<vmem>>) target_semaphore(%arg13 : memref<!tpu.dma_semaphore, #tpu.memory_space<semaphore_mem>>)
    %slice3A_31 = vector.extract_strided_slice %mul3A_21 {offsets = [0], sizes = [1], strides = [1]} : vector<16xi32> to vector<1xi32>
    %squeeze3A_32 = vector.extract %slice3A_31[0] : i32 from vector<1xi32>
    %multiple_of3A_33 = tpu.assume_multiple %squeeze3A_32, 128 : i32
    %dma_start3A_34 = arith.constant 0 : i32
    %dma_start3A_35 = arith.constant 0 : i32
    %dma_start3A_36 = tpu.memref_slice %arg10[%dma_start3A_34, %dma_start3A_35] : memref<384x128xf32, #tpu.memory_space<vmem>> -> memref<32x128xf32, #tpu.memory_space<vmem>>
    %dma_start3A_37 = arith.constant 0 : i32
    %dma_start3A_38 = tpu.memref_slice %arg4[%dma_start3A_37, %multiple_of3A_33] : memref<32x1000000xf32, #tpu.memory_space<hbm>> -> memref<32x128xf32, #tpu.memory_space<hbm>>
    %dma_start3A_39 = arith.constant 0 : i32
    %dma_start3A_40 = arith.constant 0 : i32
    %dma_start3A_41 = tpu.memref_slice %arg10[%dma_start3A_39, %dma_start3A_40] : memref<384x128xf32, #tpu.memory_space<vmem>> -> memref<32x128xf32, #tpu.memory_space<vmem>>
    %dma_start3A_42 = arith.constant 0 : i32
    %dma_start3A_43 = tpu.memref_slice %arg4[%dma_start3A_42, %multiple_of3A_33] : memref<32x1000000xf32, #tpu.memory_space<hbm>> -> memref<32x128xf32, #tpu.memory_space<hbm>>
    tpu.enqueue_dma source(%dma_start3A_43 : memref<32x128xf32, #tpu.memory_space<hbm>>) target(%dma_start3A_41 : memref<32x128xf32, #tpu.memory_space<vmem>>) target_semaphore(%arg14 : memref<!tpu.dma_semaphore, #tpu.memory_space<semaphore_mem>>)
    %slice3A_44 = vector.extract_strided_slice %mul3A_12 {offsets = [1], sizes = [1], strides = [1]} : vector<16xi32> to vector<1xi32>
    %squeeze3A_45 = vector.extract %slice3A_44[0] : i32 from vector<1xi32>
    %multiple_of3A_46 = tpu.assume_multiple %squeeze3A_45, 128 : i32
    %dma_start3A_47 = arith.constant 32 : i32
    %dma_start3A_48 = arith.constant 0 : i32
    %dma_start3A_49 = tpu.memref_slice %arg9[%dma_start3A_47, %dma_start3A_48] : memref<384x128xf32, #tpu.memory_space<vmem>> -> memref<32x128xf32, #tpu.memory_space<vmem>>
    %dma_start3A_50 = arith.constant 0 : i32
    %dma_start3A_51 = tpu.memref_slice %arg4[%dma_start3A_50, %multiple_of3A_46] : memref<32x1000000xf32, #tpu.memory_space<hbm>> -> memref<32x128xf32, #tpu.memory_space<hbm>>
    %dma_start3A_52 = arith.constant 32 : i32
    %dma_start3A_53 = arith.constant 0 : i32
    %dma_start3A_54 = tpu.memref_slice %arg9[%dma_start3A_52, %dma_start3A_53] : memref<384x128xf32, #tpu.memory_space<vmem>> -> memref<32x128xf32, #tpu.memory_space<vmem>>
    %dma_start3A_55 = arith.constant 0 : i32
    %dma_start3A_56 = tpu.memref_slice %arg4[%dma_start3A_55, %multiple_of3A_46] : memref<32x1000000xf32, #tpu.memory_space<hbm>> -> memref<32x128xf32, #tpu.memory_space<hbm>>
    tpu.enqueue_dma source(%dma_start3A_56 : memref<32x128xf32, #tpu.memory_space<hbm>>) target(%dma_start3A_54 : memref<32x128xf32, #tpu.memory_space<vmem>>) target_semaphore(%arg13 : memref<!tpu.dma_semaphore, #tpu.memory_space<semaphore_mem>>)
    %slice3A_57 = vector.extract_strided_slice %mul3A_21 {offsets = [1], sizes = [1], strides = [1]} : vector<16xi32> to vector<1xi32>
    %squeeze3A_58 = vector.extract %slice3A_57[0] : i32 from vector<1xi32>
    %multiple_of3A_59 = tpu.assume_multiple %squeeze3A_58, 128 : i32
    %dma_start3A_60 = arith.constant 32 : i32
    %dma_start3A_61 = arith.constant 0 : i32
    %dma_start3A_62 = tpu.memref_slice %arg10[%dma_start3A_60, %dma_start3A_61] : memref<384x128xf32, #tpu.memory_space<vmem>> -> memref<32x128xf32, #tpu.memory_space<vmem>>
    %dma_start3A_63 = arith.constant 0 : i32
    %dma_start3A_64 = tpu.memref_slice %arg4[%dma_start3A_63, %multiple_of3A_59] : memref<32x1000000xf32, #tpu.memory_space<hbm>> -> memref<32x128xf32, #tpu.memory_space<hbm>>
    %dma_start3A_65 = arith.constant 32 : i32
    %dma_start3A_66 = arith.constant 0 : i32
    %dma_start3A_67 = tpu.memref_slice %arg10[%dma_start3A_65, %dma_start3A_66] : memref<384x128xf32, #tpu.memory_space<vmem>> -> memref<32x128xf32, #tpu.memory_space<vmem>>
    %dma_start3A_68 = arith.constant 0 : i32
    %dma_start3A_69 = tpu.memref_slice %arg4[%dma_start3A_68, %multiple_of3A_59] : memref<32x1000000xf32, #tpu.memory_space<hbm>> -> memref<32x128xf32, #tpu.memory_space<hbm>>
    tpu.enqueue_dma source(%dma_start3A_69 : memref<32x128xf32, #tpu.memory_space<hbm>>) target(%dma_start3A_67 : memref<32x128xf32, #tpu.memory_space<vmem>>) target_semaphore(%arg14 : memref<!tpu.dma_semaphore, #tpu.memory_space<semaphore_mem>>)
    %slice3A_70 = vector.extract_strided_slice %mul3A_12 {offsets = [2], sizes = [1], strides = [1]} : vector<16xi32> to vector<1xi32>
    %squeeze3A_71 = vector.extract %slice3A_70[0] : i32 from vector<1xi32>
    %multiple_of3A_72 = tpu.assume_multiple %squeeze3A_71, 128 : i32
    %dma_start3A_73 = arith.constant 64 : i32
    %dma_start3A_74 = arith.constant 0 : i32
    %dma_start3A_75 = tpu.memref_slice %arg9[%dma_start3A_73, %dma_start3A_74] : memref<384x128xf32, #tpu.memory_space<vmem>> -> memref<32x128xf32, #tpu.memory_space<vmem>>
    %dma_start3A_76 = arith.constant 0 : i32
    %dma_start3A_77 = tpu.memref_slice %arg4[%dma_start3A_76, %multiple_of3A_72] : memref<32x1000000xf32, #tpu.memory_space<hbm>> -> memref<32x128xf32, #tpu.memory_space<hbm>>
    %dma_start3A_78 = arith.constant 64 : i32
    %dma_start3A_79 = arith.constant 0 : i32
    %dma_start3A_80 = tpu.memref_slice %arg9[%dma_start3A_78, %dma_start3A_79] : memref<384x128xf32, #tpu.memory_space<vmem>> -> memref<32x128xf32, #tpu.memory_space<vmem>>
    %dma_start3A_81 = arith.constant 0 : i32
    %dma_start3A_82 = tpu.memref_slice %arg4[%dma_start3A_81, %multiple_of3A_72] : memref<32x1000000xf32, #tpu.memory_space<hbm>> -> memref<32x128xf32, #tpu.memory_space<hbm>>
    tpu.enqueue_dma source(%dma_start3A_82 : memref<32x128xf32, #tpu.memory_space<hbm>>) target(%dma_start3A_80 : memref<32x128xf32, #tpu.memory_space<vmem>>) target_semaphore(%arg13 : memref<!tpu.dma_semaphore, #tpu.memory_space<semaphore_mem>>)
    %slice3A_83 = vector.extract_strided_slice %mul3A_21 {offsets = [2], sizes = [1], strides = [1]} : vector<16xi32> to vector<1xi32>
    %squeeze3A_84 = vector.extract %slice3A_83[0] : i32 from vector<1xi32>
    %multiple_of3A_85 = tpu.assume_multiple %squeeze3A_84, 128 : i32
    %dma_start3A_86 = arith.constant 64 : i32
    %dma_start3A_87 = arith.constant 0 : i32
    %dma_start3A_88 = tpu.memref_slice %arg10[%dma_start3A_86, %dma_start3A_87] : memref<384x128xf32, #tpu.memory_space<vmem>> -> memref<32x128xf32, #tpu.memory_space<vmem>>
    %dma_start3A_89 = arith.constant 0 : i32
    %dma_start3A_90 = tpu.memref_slice %arg4[%dma_start3A_89, %multiple_of3A_85] : memref<32x1000000xf32, #tpu.memory_space<hbm>> -> memref<32x128xf32, #tpu.memory_space<hbm>>
    %dma_start3A_91 = arith.constant 64 : i32
    %dma_start3A_92 = arith.constant 0 : i32
    %dma_start3A_93 = tpu.memref_slice %arg10[%dma_start3A_91, %dma_start3A_92] : memref<384x128xf32, #tpu.memory_space<vmem>> -> memref<32x128xf32, #tpu.memory_space<vmem>>
    %dma_start3A_94 = arith.constant 0 : i32
    %dma_start3A_95 = tpu.memref_slice %arg4[%dma_start3A_94, %multiple_of3A_85] : memref<32x1000000xf32, #tpu.memory_space<hbm>> -> memref<32x128xf32, #tpu.memory_space<hbm>>
    tpu.enqueue_dma source(%dma_start3A_95 : memref<32x128xf32, #tpu.memory_space<hbm>>) target(%dma_start3A_93 : memref<32x128xf32, #tpu.memory_space<vmem>>) target_semaphore(%arg14 : memref<!tpu.dma_semaphore, #tpu.memory_space<semaphore_mem>>)
    %slice3A_96 = vector.extract_strided_slice %mul3A_12 {offsets = [3], sizes = [1], strides = [1]} : vector<16xi32> to vector<1xi32>
    %squeeze3A_97 = vector.extract %slice3A_96[0] : i32 from vector<1xi32>
    %multiple_of3A_98 = tpu.assume_multiple %squeeze3A_97, 128 : i32
    %dma_start3A_99 = arith.constant 96 : i32
    %dma_start3A_100 = arith.constant 0 : i32
    %dma_start3A_101 = tpu.memref_slice %arg9[%dma_start3A_99, %dma_start3A_100] : memref<384x128xf32, #tpu.memory_space<vmem>> -> memref<32x128xf32, #tpu.memory_space<vmem>>
    %dma_start3A_102 = arith.constant 0 : i32
    %dma_start3A_103 = tpu.memref_slice %arg4[%dma_start3A_102, %multiple_of3A_98] : memref<32x1000000xf32, #tpu.memory_space<hbm>> -> memref<32x128xf32, #tpu.memory_space<hbm>>
    %dma_start3A_104 = arith.constant 96 : i32
    %dma_start3A_105 = arith.constant 0 : i32
    %dma_start3A_106 = tpu.memref_slice %arg9[%dma_start3A_104, %dma_start3A_105] : memref<384x128xf32, #tpu.memory_space<vmem>> -> memref<32x128xf32, #tpu.memory_space<vmem>>
    %dma_start3A_107 = arith.constant 0 : i32
    %dma_start3A_108 = tpu.memref_slice %arg4[%dma_start3A_107, %multiple_of3A_98] : memref<32x1000000xf32, #tpu.memory_space<hbm>> -> memref<32x128xf32, #tpu.memory_space<hbm>>
    tpu.enqueue_dma source(%dma_start3A_108 : memref<32x128xf32, #tpu.memory_space<hbm>>) target(%dma_start3A_106 : memref<32x128xf32, #tpu.memory_space<vmem>>) target_semaphore(%arg13 : memref<!tpu.dma_semaphore, #tpu.memory_space<semaphore_mem>>)
    %slice3A_109 = vector.extract_strided_slice %mul3A_21 {offsets = [3], sizes = [1], strides = [1]} : vector<16xi32> to vector<1xi32>
    %squeeze3A_110 = vector.extract %slice3A_109[0] : i32 from vector<1xi32>
    %multiple_of3A_111 = tpu.assume_multiple %squeeze3A_110, 128 : i32
    %dma_start3A_112 = arith.constant 96 : i32
    %dma_start3A_113 = arith.constant 0 : i32
    %dma_start3A_114 = tpu.memref_slice %arg10[%dma_start3A_112, %dma_start3A_113] : memref<384x128xf32, #tpu.memory_space<vmem>> -> memref<32x128xf32, #tpu.memory_space<vmem>>
    %dma_start3A_115 = arith.constant 0 : i32
    %dma_start3A_116 = tpu.memref_slice %arg4[%dma_start3A_115, %multiple_of3A_111] : memref<32x1000000xf32, #tpu.memory_space<hbm>> -> memref<32x128xf32, #tpu.memory_space<hbm>>
    %dma_start3A_117 = arith.constant 96 : i32
    %dma_start3A_118 = arith.constant 0 : i32
    %dma_start3A_119 = tpu.memref_slice %arg10[%dma_start3A_117, %dma_start3A_118] : memref<384x128xf32, #tpu.memory_space<vmem>> -> memref<32x128xf32, #tpu.memory_space<vmem>>
    %dma_start3A_120 = arith.constant 0 : i32
    %dma_start3A_121 = tpu.memref_slice %arg4[%dma_start3A_120, %multiple_of3A_111] : memref<32x1000000xf32, #tpu.memory_space<hbm>> -> memref<32x128xf32, #tpu.memory_space<hbm>>
    tpu.enqueue_dma source(%dma_start3A_121 : memref<32x128xf32, #tpu.memory_space<hbm>>) target(%dma_start3A_119 : memref<32x128xf32, #tpu.memory_space<vmem>>) target_semaphore(%arg14 : memref<!tpu.dma_semaphore, #tpu.memory_space<semaphore_mem>>)
    %get3A_122 = arith.constant 4 : index
    %get3A_123 = tpu.vector_load %arg7[%get3A_122] {strides = array<i32>} : memref<528xi32, #tpu.memory_space<vmem>>, vector<16xi32>,
    %get3A_124 = arith.constant 4 : index
    %get3A_125 = tpu.vector_load %arg8[%get3A_124] {strides = array<i32>} : memref<528xi32, #tpu.memory_space<vmem>>, vector<16xi32>,
    %shift_right_arithmetic3A_126 = arith.constant 7 : i32
    %shift_right_arithmetic3A_127 = vector.broadcast %shift_right_arithmetic3A_126 : i32 to vector<16xi32>
    %shift_right_arithmetic3A_128 = arith.shrsi %get3A_123, %shift_right_arithmetic3A_127 : vector<16xi32>
    %min3A_129 = arith.constant 7811 : i32
    %min3A_130 = vector.broadcast %min3A_129 : i32 to vector<16xi32>
    %min3A_131 = arith.minsi %shift_right_arithmetic3A_128, %min3A_130 : vector<16xi32>
    %mul3A_132 = arith.constant 128 : i32
    %mul3A_133 = vector.broadcast %mul3A_132 : i32 to vector<16xi32>
    %mul3A_134 = arith.muli %min3A_131, %mul3A_133 : vector<16xi32>
    %shift_right_arithmetic3A_135 = arith.constant 7 : i32
    %shift_right_arithmetic3A_136 = vector.broadcast %shift_right_arithmetic3A_135 : i32 to vector<16xi32>
    %shift_right_arithmetic3A_137 = arith.shrsi %get3A_125, %shift_right_arithmetic3A_136 : vector<16xi32>
    %min3A_138 = arith.constant 7811 : i32
    %min3A_139 = vector.broadcast %min3A_138 : i32 to vector<16xi32>
    %min3A_140 = arith.minsi %shift_right_arithmetic3A_137, %min3A_139 : vector<16xi32>
    %mul3A_141 = arith.constant 128 : i32
    %mul3A_142 = vector.broadcast %mul3A_141 : i32 to vector<16xi32>
    %mul3A_143 = arith.muli %min3A_140, %mul3A_142 : vector<16xi32>
    %slice3A_144 = vector.extract_strided_slice %mul3A_134 {offsets = [0], sizes = [1], strides = [1]} : vector<16xi32> to vector<1xi32>
    %squeeze3A_145 = vector.extract %slice3A_144[0] : i32 from vector<1xi32>
    %multiple_of3A_146 = tpu.assume_multiple %squeeze3A_145, 128 : i32
    %dma_start3A_147 = arith.constant 128 : i32
    %dma_start3A_148 = arith.constant 0 : i32
    %dma_start3A_149 = tpu.memref_slice %arg9[%dma_start3A_147, %dma_start3A_148] : memref<384x128xf32, #tpu.memory_space<vmem>> -> memref<32x128xf32, #tpu.memory_space<vmem>>
    %dma_start3A_150 = arith.constant 0 : i32
    %dma_start3A_151 = tpu.memref_slice %arg4[%dma_start3A_150, %multiple_of3A_146] : memref<32x1000000xf32, #tpu.memory_space<hbm>> -> memref<32x128xf32, #tpu.memory_space<hbm>>
    %dma_start3A_152 = arith.constant 128 : i32
    %dma_start3A_153 = arith.constant 0 : i32
    %dma_start3A_154 = tpu.memref_slice %arg9[%dma_start3A_152, %dma_start3A_153] : memref<384x128xf32, #tpu.memory_space<vmem>> -> memref<32x128xf32, #tpu.memory_space<vmem>>
    %dma_start3A_155 = arith.constant 0 : i32
    %dma_start3A_156 = tpu.memref_slice %arg4[%dma_start3A_155, %multiple_of3A_146] : memref<32x1000000xf32, #tpu.memory_space<hbm>> -> memref<32x128xf32, #tpu.memory_space<hbm>>
    tpu.enqueue_dma source(%dma_start3A_156 : memref<32x128xf32, #tpu.memory_space<hbm>>) target(%dma_start3A_154 : memref<32x128xf32, #tpu.memory_space<vmem>>) target_semaphore(%arg13 : memref<!tpu.dma_semaphore, #tpu.memory_space<semaphore_mem>>)
    %slice3A_157 = vector.extract_strided_slice %mul3A_143 {offsets = [0], sizes = [1], strides = [1]} : vector<16xi32> to vector<1xi32>
    %squeeze3A_158 = vector.extract %slice3A_157[0] : i32 from vector<1xi32>
    %multiple_of3A_159 = tpu.assume_multiple %squeeze3A_158, 128 : i32
    %dma_start3A_160 = arith.constant 128 : i32
    %dma_start3A_161 = arith.constant 0 : i32
    %dma_start3A_162 = tpu.memref_slice %arg10[%dma_start3A_160, %dma_start3A_161] : memref<384x128xf32, #tpu.memory_space<vmem>> -> memref<32x128xf32, #tpu.memory_space<vmem>>
    %dma_start3A_163 = arith.constant 0 : i32
    %dma_start3A_164 = tpu.memref_slice %arg4[%dma_start3A_163, %multiple_of3A_159] : memref<32x1000000xf32, #tpu.memory_space<hbm>> -> memref<32x128xf32, #tpu.memory_space<hbm>>
    %dma_start3A_165 = arith.constant 128 : i32
    %dma_start3A_166 = arith.constant 0 : i32
    %dma_start3A_167 = tpu.memref_slice %arg10[%dma_start3A_165, %dma_start3A_166] : memref<384x128xf32, #tpu.memory_space<vmem>> -> memref<32x128xf32, #tpu.memory_space<vmem>>
    %dma_start3A_168 = arith.constant 0 : i32
    %dma_start3A_169 = tpu.memref_slice %arg4[%dma_start3A_168, %multiple_of3A_159] : memref<32x1000000xf32, #tpu.memory_space<hbm>> -> memref<32x128xf32, #tpu.memory_space<hbm>>
    tpu.enqueue_dma source(%dma_start3A_169 : memref<32x128xf32, #tpu.memory_space<hbm>>) target(%dma_start3A_167 : memref<32x128xf32, #tpu.memory_space<vmem>>) target_semaphore(%arg14 : memref<!tpu.dma_semaphore, #tpu.memory_space<semaphore_mem>>)
    %slice3A_170 = vector.extract_strided_slice %mul3A_134 {offsets = [1], sizes = [1], strides = [1]} : vector<16xi32> to vector<1xi32>
    %squeeze3A_171 = vector.extract %slice3A_170[0] : i32 from vector<1xi32>
    %multiple_of3A_172 = tpu.assume_multiple %squeeze3A_171, 128 : i32
    %dma_start3A_173 = arith.constant 160 : i32
    %dma_start3A_174 = arith.constant 0 : i32
    %dma_start3A_175 = tpu.memref_slice %arg9[%dma_start3A_173, %dma_start3A_174] : memref<384x128xf32, #tpu.memory_space<vmem>> -> memref<32x128xf32, #tpu.memory_space<vmem>>
    %dma_start3A_176 = arith.constant 0 : i32
    %dma_start3A_177 = tpu.memref_slice %arg4[%dma_start3A_176, %multiple_of3A_172] : memref<32x1000000xf32, #tpu.memory_space<hbm>> -> memref<32x128xf32, #tpu.memory_space<hbm>>
    %dma_start3A_178 = arith.constant 160 : i32
    %dma_start3A_179 = arith.constant 0 : i32
    %dma_start3A_180 = tpu.memref_slice %arg9[%dma_start3A_178, %dma_start3A_179] : memref<384x128xf32, #tpu.memory_space<vmem>> -> memref<32x128xf32, #tpu.memory_space<vmem>>
    %dma_start3A_181 = arith.constant 0 : i32
    %dma_start3A_182 = tpu.memref_slice %arg4[%dma_start3A_181, %multiple_of3A_172] : memref<32x1000000xf32, #tpu.memory_space<hbm>> -> memref<32x128xf32, #tpu.memory_space<hbm>>
    tpu.enqueue_dma source(%dma_start3A_182 : memref<32x128xf32, #tpu.memory_space<hbm>>) target(%dma_start3A_180 : memref<32x128xf32, #tpu.memory_space<vmem>>) target_semaphore(%arg13 : memref<!tpu.dma_semaphore, #tpu.memory_space<semaphore_mem>>)
    %slice3A_183 = vector.extract_strided_slice %mul3A_143 {offsets = [1], sizes = [1], strides = [1]} : vector<16xi32> to vector<1xi32>
    %squeeze3A_184 = vector.extract %slice3A_183[0] : i32 from vector<1xi32>
    %multiple_of3A_185 = tpu.assume_multiple %squeeze3A_184, 128 : i32
    %dma_start3A_186 = arith.constant 160 : i32
    %dma_start3A_187 = arith.constant 0 : i32
    %dma_start3A_188 = tpu.memref_slice %arg10[%dma_start3A_186, %dma_start3A_187] : memref<384x128xf32, #tpu.memory_space<vmem>> -> memref<32x128xf32, #tpu.memory_space<vmem>>
    %dma_start3A_189 = arith.constant 0 : i32
    %dma_start3A_190 = tpu.memref_slice %arg4[%dma_start3A_189, %multiple_of3A_185] : memref<32x1000000xf32, #tpu.memory_space<hbm>> -> memref<32x128xf32, #tpu.memory_space<hbm>>
    %dma_start3A_191 = arith.constant 160 : i32
    %dma_start3A_192 = arith.constant 0 : i32
    %dma_start3A_193 = tpu.memref_slice %arg10[%dma_start3A_191, %dma_start3A_192] : memref<384x128xf32, #tpu.memory_space<vmem>> -> memref<32x128xf32, #tpu.memory_space<vmem>>
    %dma_start3A_194 = arith.constant 0 : i32
    %dma_start3A_195 = tpu.memref_slice %arg4[%dma_start3A_194, %multiple_of3A_185] : memref<32x1000000xf32, #tpu.memory_space<hbm>> -> memref<32x128xf32, #tpu.memory_space<hbm>>
    tpu.enqueue_dma source(%dma_start3A_195 : memref<32x128xf32, #tpu.memory_space<hbm>>) target(%dma_start3A_193 : memref<32x128xf32, #tpu.memory_space<vmem>>) target_semaphore(%arg14 : memref<!tpu.dma_semaphore, #tpu.memory_space<semaphore_mem>>)
    %slice3A_196 = vector.extract_strided_slice %mul3A_134 {offsets = [2], sizes = [1], strides = [1]} : vector<16xi32> to vector<1xi32>
    %squeeze3A_197 = vector.extract %slice3A_196[0] : i32 from vector<1xi32>
    %multiple_of3A_198 = tpu.assume_multiple %squeeze3A_197, 128 : i32
    %dma_start3A_199 = arith.constant 192 : i32
    %dma_start3A_200 = arith.constant 0 : i32
    %dma_start3A_201 = tpu.memref_slice %arg9[%dma_start3A_199, %dma_start3A_200] : memref<384x128xf32, #tpu.memory_space<vmem>> -> memref<32x128xf32, #tpu.memory_space<vmem>>
    %dma_start3A_202 = arith.constant 0 : i32
    %dma_start3A_203 = tpu.memref_slice %arg4[%dma_start3A_202, %multiple_of3A_198] : memref<32x1000000xf32, #tpu.memory_space<hbm>> -> memref<32x128xf32, #tpu.memory_space<hbm>>
    %dma_start3A_204 = arith.constant 192 : i32
    %dma_start3A_205 = arith.constant 0 : i32
    %dma_start3A_206 = tpu.memref_slice %arg9[%dma_start3A_204, %dma_start3A_205] : memref<384x128xf32, #tpu.memory_space<vmem>> -> memref<32x128xf32, #tpu.memory_space<vmem>>
    %dma_start3A_207 = arith.constant 0 : i32
    %dma_start3A_208 = tpu.memref_slice %arg4[%dma_start3A_207, %multiple_of3A_198] : memref<32x1000000xf32, #tpu.memory_space<hbm>> -> memref<32x128xf32, #tpu.memory_space<hbm>>
    tpu.enqueue_dma source(%dma_start3A_208 : memref<32x128xf32, #tpu.memory_space<hbm>>) target(%dma_start3A_206 : memref<32x128xf32, #tpu.memory_space<vmem>>) target_semaphore(%arg13 : memref<!tpu.dma_semaphore, #tpu.memory_space<semaphore_mem>>)
    %slice3A_209 = vector.extract_strided_slice %mul3A_143 {offsets = [2], sizes = [1], strides = [1]} : vector<16xi32> to vector<1xi32>
    %squeeze3A_210 = vector.extract %slice3A_209[0] : i32 from vector<1xi32>
    %multiple_of3A_211 = tpu.assume_multiple %squeeze3A_210, 128 : i32
    %dma_start3A_212 = arith.constant 192 : i32
    %dma_start3A_213 = arith.constant 0 : i32
    %dma_start3A_214 = tpu.memref_slice %arg10[%dma_start3A_212, %dma_start3A_213] : memref<384x128xf32, #tpu.memory_space<vmem>> -> memref<32x128xf32, #tpu.memory_space<vmem>>
    %dma_start3A_215 = arith.constant 0 : i32
    %dma_start3A_216 = tpu.memref_slice %arg4[%dma_start3A_215, %multiple_of3A_211] : memref<32x1000000xf32, #tpu.memory_space<hbm>> -> memref<32x128xf32, #tpu.memory_space<hbm>>
    %dma_start3A_217 = arith.constant 192 : i32
    %dma_start3A_218 = arith.constant 0 : i32
    %dma_start3A_219 = tpu.memref_slice %arg10[%dma_start3A_217, %dma_start3A_218] : memref<384x128xf32, #tpu.memory_space<vmem>> -> memref<32x128xf32, #tpu.memory_space<vmem>>
    %dma_start3A_220 = arith.constant 0 : i32
    %dma_start3A_221 = tpu.memref_slice %arg4[%dma_start3A_220, %multiple_of3A_211] : memref<32x1000000xf32, #tpu.memory_space<hbm>> -> memref<32x128xf32, #tpu.memory_space<hbm>>
    tpu.enqueue_dma source(%dma_start3A_221 : memref<32x128xf32, #tpu.memory_space<hbm>>) target(%dma_start3A_219 : memref<32x128xf32, #tpu.memory_space<vmem>>) target_semaphore(%arg14 : memref<!tpu.dma_semaphore, #tpu.memory_space<semaphore_mem>>)
    %slice3A_222 = vector.extract_strided_slice %mul3A_134 {offsets = [3], sizes = [1], strides = [1]} : vector<16xi32> to vector<1xi32>
    %squeeze3A_223 = vector.extract %slice3A_222[0] : i32 from vector<1xi32>
    %multiple_of3A_224 = tpu.assume_multiple %squeeze3A_223, 128 : i32
    %dma_start3A_225 = arith.constant 224 : i32
    %dma_start3A_226 = arith.constant 0 : i32
    %dma_start3A_227 = tpu.memref_slice %arg9[%dma_start3A_225, %dma_start3A_226] : memref<384x128xf32, #tpu.memory_space<vmem>> -> memref<32x128xf32, #tpu.memory_space<vmem>>
    %dma_start3A_228 = arith.constant 0 : i32
    %dma_start3A_229 = tpu.memref_slice %arg4[%dma_start3A_228, %multiple_of3A_224] : memref<32x1000000xf32, #tpu.memory_space<hbm>> -> memref<32x128xf32, #tpu.memory_space<hbm>>
    %dma_start3A_230 = arith.constant 224 : i32
    %dma_start3A_231 = arith.constant 0 : i32
    %dma_start3A_232 = tpu.memref_slice %arg9[%dma_start3A_230, %dma_start3A_231] : memref<384x128xf32, #tpu.memory_space<vmem>> -> memref<32x128xf32, #tpu.memory_space<vmem>>
    %dma_start3A_233 = arith.constant 0 : i32
    %dma_start3A_234 = tpu.memref_slice %arg4[%dma_start3A_233, %multiple_of3A_224] : memref<32x1000000xf32, #tpu.memory_space<hbm>> -> memref<32x128xf32, #tpu.memory_space<hbm>>
    tpu.enqueue_dma source(%dma_start3A_234 : memref<32x128xf32, #tpu.memory_space<hbm>>) target(%dma_start3A_232 : memref<32x128xf32, #tpu.memory_space<vmem>>) target_semaphore(%arg13 : memref<!tpu.dma_semaphore, #tpu.memory_space<semaphore_mem>>)
    %slice3A_235 = vector.extract_strided_slice %mul3A_143 {offsets = [3], sizes = [1], strides = [1]} : vector<16xi32> to vector<1xi32>
    %squeeze3A_236 = vector.extract %slice3A_235[0] : i32 from vector<1xi32>
    %multiple_of3A_237 = tpu.assume_multiple %squeeze3A_236, 128 : i32
    %dma_start3A_238 = arith.constant 224 : i32
    %dma_start3A_239 = arith.constant 0 : i32
    %dma_start3A_240 = tpu.memref_slice %arg10[%dma_start3A_238, %dma_start3A_239] : memref<384x128xf32, #tpu.memory_space<vmem>> -> memref<32x128xf32, #tpu.memory_space<vmem>>
    %dma_start3A_241 = arith.constant 0 : i32
    %dma_start3A_242 = tpu.memref_slice %arg4[%dma_start3A_241, %multiple_of3A_237] : memref<32x1000000xf32, #tpu.memory_space<hbm>> -> memref<32x128xf32, #tpu.memory_space<hbm>>
    %dma_start3A_243 = arith.constant 224 : i32
    %dma_start3A_244 = arith.constant 0 : i32
    %dma_start3A_245 = tpu.memref_slice %arg10[%dma_start3A_243, %dma_start3A_244] : memref<384x128xf32, #tpu.memory_space<vmem>> -> memref<32x128xf32, #tpu.memory_space<vmem>>
    %dma_start3A_246 = arith.constant 0 : i32
    %dma_start3A_247 = tpu.memref_slice %arg4[%dma_start3A_246, %multiple_of3A_237] : memref<32x1000000xf32, #tpu.memory_space<hbm>> -> memref<32x128xf32, #tpu.memory_space<hbm>>
    tpu.enqueue_dma source(%dma_start3A_247 : memref<32x128xf32, #tpu.memory_space<hbm>>) target(%dma_start3A_245 : memref<32x128xf32, #tpu.memory_space<vmem>>) target_semaphore(%arg14 : memref<!tpu.dma_semaphore, #tpu.memory_space<semaphore_mem>>)
    %broadcast_in_dim3A = arith.constant 0.000000e+00 : f32
    %broadcast_in_dim3A_248 = vector.broadcast %broadcast_in_dim3A : f32 to vector<16xf32>
    %scan3A = arith.constant 0 : i32
    %scan3A_249 = arith.constant 128 : i32
    %scan3A_250 = arith.addi %scan3A, %scan3A_249 : i32
    %scan3A_251 = arith.constant 1 : i32
    %scan3A_252 = scf.for %scan3A_254 = %scan3A to %scan3A_250 step %scan3A_251 iter_args(%scan3A_255 = %broadcast_in_dim3A_248) -> (vector<16xf32>)  : i32 {
      %jit3A = arith.constant 3 : i32
      %eq3A = arith.constant 0 : i32
      %eq3A_256 = arith.cmpi eq, %jit3A, %eq3A : i32
      %jit3A_257 = arith.constant 1 : i32
      %select_n3A = arith.select %eq3A_256, %jit3A_257, %jit3A : i32
      %rem3A = arith.remsi %scan3A_254, %select_n3A : i32
      %ne3A = arith.constant 0 : i32
      %ne3A_258 = arith.cmpi ne, %rem3A, %ne3A : i32
      %lt3A = arith.constant 0 : i32
      %lt3A_259 = arith.cmpi slt, %rem3A, %lt3A : i32
      %lt3A_260 = arith.constant 0 : i32
      %lt3A_261 = arith.cmpi slt, %select_n3A, %lt3A_260 : i32
      %ne3A_262 = arith.xori %lt3A_259, %lt3A_261 : i1
      %and3A = arith.andi %ne3A_262, %ne3A_258 : i1
      %add3A_263 = arith.addi %rem3A, %select_n3A : i32
      %select_n3A_264 = arith.select %and3A, %add3A_263, %rem3A : i32
      %add3A_265 = arith.constant 2 : i32
      %add3A_266 = arith.addi %scan3A_254, %add3A_265 : i32
      %lt3A_267 = arith.constant 128 : i32
      %lt3A_268 = arith.cmpi slt, %add3A_266, %lt3A_267 : i32
      %convert_element_type3A = arith.extui %lt3A_268 : i1 to i32
      %cond3A = arith.constant 0 : i32
      %cond3A_269 = arith.cmpi ne, %convert_element_type3A, %cond3A : i32
      scf.if %cond3A_269 {
        %add3A_737 = arith.constant 2 : i32
        %add3A_738 = arith.addi %scan3A_254, %add3A_737 : i32
        %add3A_739 = arith.constant 2 : i32
        %add3A_740 = arith.addi %scan3A_254, %add3A_739 : i32
        %jit3A_741 = arith.constant 3 : i32
        %eq3A_742 = arith.constant 0 : i32
        %eq3A_743 = arith.cmpi eq, %jit3A_741, %eq3A_742 : i32
        %jit3A_744 = arith.constant 1 : i32
        %select_n3A_745 = arith.select %eq3A_743, %jit3A_744, %jit3A_741 : i32
        %rem3A_746 = arith.remsi %add3A_740, %select_n3A_745 : i32
        %ne3A_747 = arith.constant 0 : i32
        %ne3A_748 = arith.cmpi ne, %rem3A_746, %ne3A_747 : i32
        %lt3A_749 = arith.constant 0 : i32
        %lt3A_750 = arith.cmpi slt, %rem3A_746, %lt3A_749 : i32
        %lt3A_751 = arith.constant 0 : i32
        %lt3A_752 = arith.cmpi slt, %select_n3A_745, %lt3A_751 : i32
        %ne3A_753 = arith.xori %lt3A_750, %lt3A_752 : i1
        %and3A_754 = arith.andi %ne3A_753, %ne3A_748 : i1
        %add3A_755 = arith.addi %rem3A_746, %select_n3A_745 : i32
        %select_n3A_756 = arith.select %and3A_754, %add3A_755, %rem3A_746 : i32
        %mul3A_757 = arith.constant 4 : i32
        %mul3A_758 = arith.muli %add3A_738, %mul3A_757 : i32
        %get3A_759 = arith.index_cast %mul3A_758 : i32 to index
        %get3A_760 = tpu.vector_load %arg7[%get3A_759] {strides = array<i32>} : memref<528xi32, #tpu.memory_space<vmem>>, vector<16xi32>,
        %mul3A_761 = arith.constant 4 : i32
        %mul3A_762 = arith.muli %add3A_738, %mul3A_761 : i32
        %get3A_763 = arith.index_cast %mul3A_762 : i32 to index
        %get3A_764 = tpu.vector_load %arg8[%get3A_763] {strides = array<i32>} : memref<528xi32, #tpu.memory_space<vmem>>, vector<16xi32>,
        %shift_right_arithmetic3A_765 = arith.constant 7 : i32
        %shift_right_arithmetic3A_766 = vector.broadcast %shift_right_arithmetic3A_765 : i32 to vector<16xi32>
        %shift_right_arithmetic3A_767 = arith.shrsi %get3A_760, %shift_right_arithmetic3A_766 : vector<16xi32>
        %min3A_768 = arith.constant 7811 : i32
        %min3A_769 = vector.broadcast %min3A_768 : i32 to vector<16xi32>
        %min3A_770 = arith.minsi %shift_right_arithmetic3A_767, %min3A_769 : vector<16xi32>
        %mul3A_771 = arith.constant 128 : i32
        %mul3A_772 = vector.broadcast %mul3A_771 : i32 to vector<16xi32>
        %mul3A_773 = arith.muli %min3A_770, %mul3A_772 : vector<16xi32>
        %shift_right_arithmetic3A_774 = arith.constant 7 : i32
        %shift_right_arithmetic3A_775 = vector.broadcast %shift_right_arithmetic3A_774 : i32 to vector<16xi32>
        %shift_right_arithmetic3A_776 = arith.shrsi %get3A_764, %shift_right_arithmetic3A_775 : vector<16xi32>
        %min3A_777 = arith.constant 7811 : i32
        %min3A_778 = vector.broadcast %min3A_777 : i32 to vector<16xi32>
        %min3A_779 = arith.minsi %shift_right_arithmetic3A_776, %min3A_778 : vector<16xi32>
        %mul3A_780 = arith.constant 128 : i32
        %mul3A_781 = vector.broadcast %mul3A_780 : i32 to vector<16xi32>
        %mul3A_782 = arith.muli %min3A_779, %mul3A_781 : vector<16xi32>
        %mul3A_783 = arith.constant 128 : i32
        %mul3A_784 = arith.muli %select_n3A_756, %mul3A_783 : i32
        %add3A_785 = arith.constant 0 : i32
        %add3A_786 = arith.addi %mul3A_784, %add3A_785 : i32
        %slice3A_787 = vector.extract_strided_slice %mul3A_773 {offsets = [0], sizes = [1], strides = [1]} : vector<16xi32> to vector<1xi32>
        %squeeze3A_788 = vector.extract %slice3A_787[0] : i32 from vector<1xi32>
        %multiple_of3A_789 = tpu.assume_multiple %squeeze3A_788, 128 : i32
        %dma_start3A_790 = arith.constant 0 : i32
        %dma_start3A_791 = tpu.memref_slice %arg9[%add3A_786, %dma_start3A_790] : memref<384x128xf32, #tpu.memory_space<vmem>> -> memref<32x128xf32, #tpu.memory_space<vmem>>
        %dma_start3A_792 = arith.constant 0 : i32
        %dma_start3A_793 = tpu.memref_slice %arg4[%dma_start3A_792, %multiple_of3A_789] : memref<32x1000000xf32, #tpu.memory_space<hbm>> -> memref<32x128xf32, #tpu.memory_space<hbm>>
        %dma_start3A_794 = arith.constant 0 : i32
        %dma_start3A_795 = tpu.memref_slice %arg9[%add3A_786, %dma_start3A_794] : memref<384x128xf32, #tpu.memory_space<vmem>> -> memref<32x128xf32, #tpu.memory_space<vmem>>
        %dma_start3A_796 = arith.constant 0 : i32
        %dma_start3A_797 = tpu.memref_slice %arg4[%dma_start3A_796, %multiple_of3A_789] : memref<32x1000000xf32, #tpu.memory_space<hbm>> -> memref<32x128xf32, #tpu.memory_space<hbm>>
        tpu.enqueue_dma source(%dma_start3A_797 : memref<32x128xf32, #tpu.memory_space<hbm>>) target(%dma_start3A_795 : memref<32x128xf32, #tpu.memory_space<vmem>>) target_semaphore(%arg13 : memref<!tpu.dma_semaphore, #tpu.memory_space<semaphore_mem>>)
        %slice3A_798 = vector.extract_strided_slice %mul3A_782 {offsets = [0], sizes = [1], strides = [1]} : vector<16xi32> to vector<1xi32>
        %squeeze3A_799 = vector.extract %slice3A_798[0] : i32 from vector<1xi32>
        %multiple_of3A_800 = tpu.assume_multiple %squeeze3A_799, 128 : i32
        %dma_start3A_801 = arith.constant 0 : i32
        %dma_start3A_802 = tpu.memref_slice %arg10[%add3A_786, %dma_start3A_801] : memref<384x128xf32, #tpu.memory_space<vmem>> -> memref<32x128xf32, #tpu.memory_space<vmem>>
        %dma_start3A_803 = arith.constant 0 : i32
        %dma_start3A_804 = tpu.memref_slice %arg4[%dma_start3A_803, %multiple_of3A_800] : memref<32x1000000xf32, #tpu.memory_space<hbm>> -> memref<32x128xf32, #tpu.memory_space<hbm>>
        %dma_start3A_805 = arith.constant 0 : i32
        %dma_start3A_806 = tpu.memref_slice %arg10[%add3A_786, %dma_start3A_805] : memref<384x128xf32, #tpu.memory_space<vmem>> -> memref<32x128xf32, #tpu.memory_space<vmem>>
        %dma_start3A_807 = arith.constant 0 : i32
        %dma_start3A_808 = tpu.memref_slice %arg4[%dma_start3A_807, %multiple_of3A_800] : memref<32x1000000xf32, #tpu.memory_space<hbm>> -> memref<32x128xf32, #tpu.memory_space<hbm>>
        tpu.enqueue_dma source(%dma_start3A_808 : memref<32x128xf32, #tpu.memory_space<hbm>>) target(%dma_start3A_806 : memref<32x128xf32, #tpu.memory_space<vmem>>) target_semaphore(%arg14 : memref<!tpu.dma_semaphore, #tpu.memory_space<semaphore_mem>>)
        %mul3A_809 = arith.constant 128 : i32
        %mul3A_810 = arith.muli %select_n3A_756, %mul3A_809 : i32
        %add3A_811 = arith.constant 32 : i32
        %add3A_812 = arith.addi %mul3A_810, %add3A_811 : i32
        %slice3A_813 = vector.extract_strided_slice %mul3A_773 {offsets = [1], sizes = [1], strides = [1]} : vector<16xi32> to vector<1xi32>
        %squeeze3A_814 = vector.extract %slice3A_813[0] : i32 from vector<1xi32>
        %multiple_of3A_815 = tpu.assume_multiple %squeeze3A_814, 128 : i32
        %dma_start3A_816 = arith.constant 0 : i32
        %dma_start3A_817 = tpu.memref_slice %arg9[%add3A_812, %dma_start3A_816] : memref<384x128xf32, #tpu.memory_space<vmem>> -> memref<32x128xf32, #tpu.memory_space<vmem>>
        %dma_start3A_818 = arith.constant 0 : i32
        %dma_start3A_819 = tpu.memref_slice %arg4[%dma_start3A_818, %multiple_of3A_815] : memref<32x1000000xf32, #tpu.memory_space<hbm>> -> memref<32x128xf32, #tpu.memory_space<hbm>>
        %dma_start3A_820 = arith.constant 0 : i32
        %dma_start3A_821 = tpu.memref_slice %arg9[%add3A_812, %dma_start3A_820] : memref<384x128xf32, #tpu.memory_space<vmem>> -> memref<32x128xf32, #tpu.memory_space<vmem>>
        %dma_start3A_822 = arith.constant 0 : i32
        %dma_start3A_823 = tpu.memref_slice %arg4[%dma_start3A_822, %multiple_of3A_815] : memref<32x1000000xf32, #tpu.memory_space<hbm>> -> memref<32x128xf32, #tpu.memory_space<hbm>>
        tpu.enqueue_dma source(%dma_start3A_823 : memref<32x128xf32, #tpu.memory_space<hbm>>) target(%dma_start3A_821 : memref<32x128xf32, #tpu.memory_space<vmem>>) target_semaphore(%arg13 : memref<!tpu.dma_semaphore, #tpu.memory_space<semaphore_mem>>)
        %slice3A_824 = vector.extract_strided_slice %mul3A_782 {offsets = [1], sizes = [1], strides = [1]} : vector<16xi32> to vector<1xi32>
        %squeeze3A_825 = vector.extract %slice3A_824[0] : i32 from vector<1xi32>
        %multiple_of3A_826 = tpu.assume_multiple %squeeze3A_825, 128 : i32
        %dma_start3A_827 = arith.constant 0 : i32
        %dma_start3A_828 = tpu.memref_slice %arg10[%add3A_812, %dma_start3A_827] : memref<384x128xf32, #tpu.memory_space<vmem>> -> memref<32x128xf32, #tpu.memory_space<vmem>>
        %dma_start3A_829 = arith.constant 0 : i32
        %dma_start3A_830 = tpu.memref_slice %arg4[%dma_start3A_829, %multiple_of3A_826] : memref<32x1000000xf32, #tpu.memory_space<hbm>> -> memref<32x128xf32, #tpu.memory_space<hbm>>
        %dma_start3A_831 = arith.constant 0 : i32
        %dma_start3A_832 = tpu.memref_slice %arg10[%add3A_812, %dma_start3A_831] : memref<384x128xf32, #tpu.memory_space<vmem>> -> memref<32x128xf32, #tpu.memory_space<vmem>>
        %dma_start3A_833 = arith.constant 0 : i32
        %dma_start3A_834 = tpu.memref_slice %arg4[%dma_start3A_833, %multiple_of3A_826] : memref<32x1000000xf32, #tpu.memory_space<hbm>> -> memref<32x128xf32, #tpu.memory_space<hbm>>
        tpu.enqueue_dma source(%dma_start3A_834 : memref<32x128xf32, #tpu.memory_space<hbm>>) target(%dma_start3A_832 : memref<32x128xf32, #tpu.memory_space<vmem>>) target_semaphore(%arg14 : memref<!tpu.dma_semaphore, #tpu.memory_space<semaphore_mem>>)
        %mul3A_835 = arith.constant 128 : i32
        %mul3A_836 = arith.muli %select_n3A_756, %mul3A_835 : i32
        %add3A_837 = arith.constant 64 : i32
        %add3A_838 = arith.addi %mul3A_836, %add3A_837 : i32
        %slice3A_839 = vector.extract_strided_slice %mul3A_773 {offsets = [2], sizes = [1], strides = [1]} : vector<16xi32> to vector<1xi32>
        %squeeze3A_840 = vector.extract %slice3A_839[0] : i32 from vector<1xi32>
        %multiple_of3A_841 = tpu.assume_multiple %squeeze3A_840, 128 : i32
        %dma_start3A_842 = arith.constant 0 : i32
        %dma_start3A_843 = tpu.memref_slice %arg9[%add3A_838, %dma_start3A_842] : memref<384x128xf32, #tpu.memory_space<vmem>> -> memref<32x128xf32, #tpu.memory_space<vmem>>
        %dma_start3A_844 = arith.constant 0 : i32
        %dma_start3A_845 = tpu.memref_slice %arg4[%dma_start3A_844, %multiple_of3A_841] : memref<32x1000000xf32, #tpu.memory_space<hbm>> -> memref<32x128xf32, #tpu.memory_space<hbm>>
        %dma_start3A_846 = arith.constant 0 : i32
        %dma_start3A_847 = tpu.memref_slice %arg9[%add3A_838, %dma_start3A_846] : memref<384x128xf32, #tpu.memory_space<vmem>> -> memref<32x128xf32, #tpu.memory_space<vmem>>
        %dma_start3A_848 = arith.constant 0 : i32
        %dma_start3A_849 = tpu.memref_slice %arg4[%dma_start3A_848, %multiple_of3A_841] : memref<32x1000000xf32, #tpu.memory_space<hbm>> -> memref<32x128xf32, #tpu.memory_space<hbm>>
        tpu.enqueue_dma source(%dma_start3A_849 : memref<32x128xf32, #tpu.memory_space<hbm>>) target(%dma_start3A_847 : memref<32x128xf32, #tpu.memory_space<vmem>>) target_semaphore(%arg13 : memref<!tpu.dma_semaphore, #tpu.memory_space<semaphore_mem>>)
        %slice3A_850 = vector.extract_strided_slice %mul3A_782 {offsets = [2], sizes = [1], strides = [1]} : vector<16xi32> to vector<1xi32>
        %squeeze3A_851 = vector.extract %slice3A_850[0] : i32 from vector<1xi32>
        %multiple_of3A_852 = tpu.assume_multiple %squeeze3A_851, 128 : i32
        %dma_start3A_853 = arith.constant 0 : i32
        %dma_start3A_854 = tpu.memref_slice %arg10[%add3A_838, %dma_start3A_853] : memref<384x128xf32, #tpu.memory_space<vmem>> -> memref<32x128xf32, #tpu.memory_space<vmem>>
        %dma_start3A_855 = arith.constant 0 : i32
        %dma_start3A_856 = tpu.memref_slice %arg4[%dma_start3A_855, %multiple_of3A_852] : memref<32x1000000xf32, #tpu.memory_space<hbm>> -> memref<32x128xf32, #tpu.memory_space<hbm>>
        %dma_start3A_857 = arith.constant 0 : i32
        %dma_start3A_858 = tpu.memref_slice %arg10[%add3A_838, %dma_start3A_857] : memref<384x128xf32, #tpu.memory_space<vmem>> -> memref<32x128xf32, #tpu.memory_space<vmem>>
        %dma_start3A_859 = arith.constant 0 : i32
        %dma_start3A_860 = tpu.memref_slice %arg4[%dma_start3A_859, %multiple_of3A_852] : memref<32x1000000xf32, #tpu.memory_space<hbm>> -> memref<32x128xf32, #tpu.memory_space<hbm>>
        tpu.enqueue_dma source(%dma_start3A_860 : memref<32x128xf32, #tpu.memory_space<hbm>>) target(%dma_start3A_858 : memref<32x128xf32, #tpu.memory_space<vmem>>) target_semaphore(%arg14 : memref<!tpu.dma_semaphore, #tpu.memory_space<semaphore_mem>>)
        %mul3A_861 = arith.constant 128 : i32
        %mul3A_862 = arith.muli %select_n3A_756, %mul3A_861 : i32
        %add3A_863 = arith.constant 96 : i32
        %add3A_864 = arith.addi %mul3A_862, %add3A_863 : i32
        %slice3A_865 = vector.extract_strided_slice %mul3A_773 {offsets = [3], sizes = [1], strides = [1]} : vector<16xi32> to vector<1xi32>
        %squeeze3A_866 = vector.extract %slice3A_865[0] : i32 from vector<1xi32>
        %multiple_of3A_867 = tpu.assume_multiple %squeeze3A_866, 128 : i32
        %dma_start3A_868 = arith.constant 0 : i32
        %dma_start3A_869 = tpu.memref_slice %arg9[%add3A_864, %dma_start3A_868] : memref<384x128xf32, #tpu.memory_space<vmem>> -> memref<32x128xf32, #tpu.memory_space<vmem>>
        %dma_start3A_870 = arith.constant 0 : i32
        %dma_start3A_871 = tpu.memref_slice %arg4[%dma_start3A_870, %multiple_of3A_867] : memref<32x1000000xf32, #tpu.memory_space<hbm>> -> memref<32x128xf32, #tpu.memory_space<hbm>>
        %dma_start3A_872 = arith.constant 0 : i32
        %dma_start3A_873 = tpu.memref_slice %arg9[%add3A_864, %dma_start3A_872] : memref<384x128xf32, #tpu.memory_space<vmem>> -> memref<32x128xf32, #tpu.memory_space<vmem>>
        %dma_start3A_874 = arith.constant 0 : i32
        %dma_start3A_875 = tpu.memref_slice %arg4[%dma_start3A_874, %multiple_of3A_867] : memref<32x1000000xf32, #tpu.memory_space<hbm>> -> memref<32x128xf32, #tpu.memory_space<hbm>>
        tpu.enqueue_dma source(%dma_start3A_875 : memref<32x128xf32, #tpu.memory_space<hbm>>) target(%dma_start3A_873 : memref<32x128xf32, #tpu.memory_space<vmem>>) target_semaphore(%arg13 : memref<!tpu.dma_semaphore, #tpu.memory_space<semaphore_mem>>)
        %slice3A_876 = vector.extract_strided_slice %mul3A_782 {offsets = [3], sizes = [1], strides = [1]} : vector<16xi32> to vector<1xi32>
        %squeeze3A_877 = vector.extract %slice3A_876[0] : i32 from vector<1xi32>
        %multiple_of3A_878 = tpu.assume_multiple %squeeze3A_877, 128 : i32
        %dma_start3A_879 = arith.constant 0 : i32
        %dma_start3A_880 = tpu.memref_slice %arg10[%add3A_864, %dma_start3A_879] : memref<384x128xf32, #tpu.memory_space<vmem>> -> memref<32x128xf32, #tpu.memory_space<vmem>>
        %dma_start3A_881 = arith.constant 0 : i32
        %dma_start3A_882 = tpu.memref_slice %arg4[%dma_start3A_881, %multiple_of3A_878] : memref<32x1000000xf32, #tpu.memory_space<hbm>> -> memref<32x128xf32, #tpu.memory_space<hbm>>
        %dma_start3A_883 = arith.constant 0 : i32
        %dma_start3A_884 = tpu.memref_slice %arg10[%add3A_864, %dma_start3A_883] : memref<384x128xf32, #tpu.memory_space<vmem>> -> memref<32x128xf32, #tpu.memory_space<vmem>>
        %dma_start3A_885 = arith.constant 0 : i32
        %dma_start3A_886 = tpu.memref_slice %arg4[%dma_start3A_885, %multiple_of3A_878] : memref<32x1000000xf32, #tpu.memory_space<hbm>> -> memref<32x128xf32, #tpu.memory_space<hbm>>
        tpu.enqueue_dma source(%dma_start3A_886 : memref<32x128xf32, #tpu.memory_space<hbm>>) target(%dma_start3A_884 : memref<32x128xf32, #tpu.memory_space<vmem>>) target_semaphore(%arg14 : memref<!tpu.dma_semaphore, #tpu.memory_space<semaphore_mem>>)
      } else {
      }
      %mul3A_270 = arith.constant 128 : i32
      %mul3A_271 = arith.muli %select_n3A_264, %mul3A_270 : i32
      %dma_wait3A = arith.constant 0 : i32
      %dma_wait3A_272 = tpu.memref_slice %arg9[%mul3A_271, %dma_wait3A] : memref<384x128xf32, #tpu.memory_space<vmem>> -> memref<128x128xf32, #tpu.memory_space<vmem>>
      %dma_wait3A_273 = arith.constant 0 : i32
      %dma_wait3A_274 = arith.constant 0 : i32
      %dma_wait3A_275 = tpu.memref_slice %arg4[%dma_wait3A_273, %dma_wait3A_274] : memref<32x1000000xf32, #tpu.memory_space<hbm>> -> memref<128x128xf32, #tpu.memory_space<hbm>>
      %dma_wait3A_276 = arith.constant 0 : i32
      %dma_wait3A_277 = tpu.memref_slice %arg9[%mul3A_271, %dma_wait3A_276] : memref<384x128xf32, #tpu.memory_space<vmem>> -> memref<128x128xf32, #tpu.memory_space<vmem>>
      %dma_wait3A_278 = arith.constant 0 : i32
      %dma_wait3A_279 = arith.constant 0 : i32
      %dma_wait3A_280 = tpu.memref_slice %arg4[%dma_wait3A_278, %dma_wait3A_279] : memref<32x1000000xf32, #tpu.memory_space<hbm>> -> memref<128x128xf32, #tpu.memory_space<hbm>>
      tpu.wait_dma2 semaphore(%arg13 : memref<!tpu.dma_semaphore, #tpu.memory_space<semaphore_mem>>) src(%dma_wait3A_280 : memref<128x128xf32, #tpu.memory_space<hbm>>) dst(%dma_wait3A_277 : memref<128x128xf32, #tpu.memory_space<vmem>>)
      %dma_wait3A_281 = arith.constant 0 : i32
      %dma_wait3A_282 = tpu.memref_slice %arg10[%mul3A_271, %dma_wait3A_281] : memref<384x128xf32, #tpu.memory_space<vmem>> -> memref<128x128xf32, #tpu.memory_space<vmem>>
      %dma_wait3A_283 = arith.constant 0 : i32
      %dma_wait3A_284 = arith.constant 0 : i32
      %dma_wait3A_285 = tpu.memref_slice %arg4[%dma_wait3A_283, %dma_wait3A_284] : memref<32x1000000xf32, #tpu.memory_space<hbm>> -> memref<128x128xf32, #tpu.memory_space<hbm>>
      %dma_wait3A_286 = arith.constant 0 : i32
      %dma_wait3A_287 = tpu.memref_slice %arg10[%mul3A_271, %dma_wait3A_286] : memref<384x128xf32, #tpu.memory_space<vmem>> -> memref<128x128xf32, #tpu.memory_space<vmem>>
      %dma_wait3A_288 = arith.constant 0 : i32
      %dma_wait3A_289 = arith.constant 0 : i32
      %dma_wait3A_290 = tpu.memref_slice %arg4[%dma_wait3A_288, %dma_wait3A_289] : memref<32x1000000xf32, #tpu.memory_space<hbm>> -> memref<128x128xf32, #tpu.memory_space<hbm>>
      tpu.wait_dma2 semaphore(%arg14 : memref<!tpu.dma_semaphore, #tpu.memory_space<semaphore_mem>>) src(%dma_wait3A_290 : memref<128x128xf32, #tpu.memory_space<hbm>>) dst(%dma_wait3A_287 : memref<128x128xf32, #tpu.memory_space<vmem>>)
      %mul3A_291 = arith.constant 4 : i32
      %mul3A_292 = arith.muli %scan3A_254, %mul3A_291 : i32
      %get3A_293 = arith.index_cast %mul3A_292 : i32 to index
      %get3A_294 = tpu.vector_load %arg7[%get3A_293] {strides = array<i32>} : memref<528xi32, #tpu.memory_space<vmem>>, vector<16xi32>,
      %mul3A_295 = arith.constant 4 : i32
      %mul3A_296 = arith.muli %scan3A_254, %mul3A_295 : i32
      %get3A_297 = arith.index_cast %mul3A_296 : i32 to index
      %get3A_298 = tpu.vector_load %arg8[%get3A_297] {strides = array<i32>} : memref<528xi32, #tpu.memory_space<vmem>>, vector<16xi32>,
      %shift_right_arithmetic3A_299 = arith.constant 7 : i32
      %shift_right_arithmetic3A_300 = vector.broadcast %shift_right_arithmetic3A_299 : i32 to vector<16xi32>
      %shift_right_arithmetic3A_301 = arith.shrsi %get3A_294, %shift_right_arithmetic3A_300 : vector<16xi32>
      %min3A_302 = arith.constant 7811 : i32
      %min3A_303 = vector.broadcast %min3A_302 : i32 to vector<16xi32>
      %min3A_304 = arith.minsi %shift_right_arithmetic3A_301, %min3A_303 : vector<16xi32>
      %mul3A_305 = arith.constant 128 : i32
      %mul3A_306 = vector.broadcast %mul3A_305 : i32 to vector<16xi32>
      %mul3A_307 = arith.muli %min3A_304, %mul3A_306 : vector<16xi32>
      %shift_right_arithmetic3A_308 = arith.constant 7 : i32
      %shift_right_arithmetic3A_309 = vector.broadcast %shift_right_arithmetic3A_308 : i32 to vector<16xi32>
      %shift_right_arithmetic3A_310 = arith.shrsi %get3A_298, %shift_right_arithmetic3A_309 : vector<16xi32>
      %min3A_311 = arith.constant 7811 : i32
      %min3A_312 = vector.broadcast %min3A_311 : i32 to vector<16xi32>
      %min3A_313 = arith.minsi %shift_right_arithmetic3A_310, %min3A_312 : vector<16xi32>
      %mul3A_314 = arith.constant 128 : i32
      %mul3A_315 = vector.broadcast %mul3A_314 : i32 to vector<16xi32>
      %mul3A_316 = arith.muli %min3A_313, %mul3A_315 : vector<16xi32>
      %sub3A = arith.subi %get3A_294, %mul3A_307 : vector<16xi32>
      %sub3A_317 = arith.subi %get3A_298, %mul3A_316 : vector<16xi32>
      %mul3A_318 = arith.constant 128 : i32
      %mul3A_319 = arith.muli %select_n3A_264, %mul3A_318 : i32
      %add3A_320 = arith.constant 0 : i32
      %add3A_321 = arith.addi %mul3A_319, %add3A_320 : i32
      %add3A_322 = vector.broadcast %add3A_321 : i32 to vector<16xi32>
      %add3A_323 = arith.addi %add3A_322, %iota3A : vector<16xi32>
      %add3A_324 = arith.constant 16 : i32
      %add3A_325 = vector.broadcast %add3A_324 : i32 to vector<16xi32>
      %add3A_326 = arith.addi %add3A_323, %add3A_325 : vector<16xi32>
      %broadcast_in_dim3A_327 = arith.constant 1 : i32
      %broadcast_in_dim3A_328 = vector.broadcast %broadcast_in_dim3A_327 : i32 to vector<16xi32>
      %slice3A_329 = vector.extract_strided_slice %sub3A {offsets = [0], sizes = [1], strides = [1]} : vector<16xi32> to vector<1xi32>
      %squeeze3A_330 = vector.extract %slice3A_329[0] : i32 from vector<1xi32>
      %mul3A_331 = vector.broadcast %squeeze3A_330 : i32 to vector<16xi32>
      %mul3A_332 = arith.muli %broadcast_in_dim3A_328, %mul3A_331 : vector<16xi32>
      %broadcast_in_dim3A_333 = arith.constant 1 : i32
      %broadcast_in_dim3A_334 = vector.broadcast %broadcast_in_dim3A_333 : i32 to vector<16xi32>
      %slice3A_335 = vector.extract_strided_slice %sub3A_317 {offsets = [0], sizes = [1], strides = [1]} : vector<16xi32> to vector<1xi32>
      %squeeze3A_336 = vector.extract %slice3A_335[0] : i32 from vector<1xi32>
      %mul3A_337 = vector.broadcast %squeeze3A_336 : i32 to vector<16xi32>
      %mul3A_338 = arith.muli %broadcast_in_dim3A_334, %mul3A_337 : vector<16xi32>
      %gather3A = tpu.vector_load_idx %arg9[%add3A_323, %mul3A_332] : memref<384x128xf32, #tpu.memory_space<vmem>>[vector<16xi32>, vector<16xi32>], vector<16xf32>,
      %gather3A_339 = tpu.vector_load_idx %arg9[%add3A_326, %mul3A_332] : memref<384x128xf32, #tpu.memory_space<vmem>>[vector<16xi32>, vector<16xi32>], vector<16xf32>,
      %gather3A_340 = tpu.vector_load_idx %arg10[%add3A_323, %mul3A_338] : memref<384x128xf32, #tpu.memory_space<vmem>>[vector<16xi32>, vector<16xi32>], vector<16xf32>,
      %gather3A_341 = tpu.vector_load_idx %arg10[%add3A_326, %mul3A_338] : memref<384x128xf32, #tpu.memory_space<vmem>>[vector<16xi32>, vector<16xi32>], vector<16xf32>,
      %slice3A_342 = vector.extract_strided_slice %get3A_294 {offsets = [0], sizes = [1], strides = [1]} : vector<16xi32> to vector<1xi32>
      %squeeze3A_343 = vector.extract %slice3A_342[0] : i32 from vector<1xi32>
      %sub3A_344 = arith.constant 999936 : i32
      %sub3A_345 = arith.subi %squeeze3A_343, %sub3A_344 : i32
      %jit3A_346 = arith.constant 0 : i32
      %jit3A_347 = arith.constant 63 : i32
      %max3A = arith.maxsi %jit3A_346, %sub3A_345 : i32
      %min3A_348 = arith.minsi %jit3A_347, %max3A : i32
      %mul3A_349 = arith.constant 32 : i32
      %mul3A_350 = arith.muli %min3A_348, %mul3A_349 : i32
      %slice3A_351 = vector.extract_strided_slice %get3A_298 {offsets = [0], sizes = [1], strides = [1]} : vector<16xi32> to vector<1xi32>
      %squeeze3A_352 = vector.extract %slice3A_351[0] : i32 from vector<1xi32>
      %sub3A_353 = arith.constant 999936 : i32
      %sub3A_354 = arith.subi %squeeze3A_352, %sub3A_353 : i32
      %jit3A_355 = arith.constant 0 : i32
      %jit3A_356 = arith.constant 63 : i32
      %max3A_357 = arith.maxsi %jit3A_355, %sub3A_354 : i32
      %min3A_358 = arith.minsi %jit3A_356, %max3A_357 : i32
      %mul3A_359 = arith.constant 32 : i32
      %mul3A_360 = arith.muli %min3A_358, %mul3A_359 : i32
      %add3A_361 = vector.broadcast %mul3A_350 : i32 to vector<16xi32>
      %add3A_362 = arith.addi %add3A_361, %iota3A : vector<16xi32>
      %gather3A_363 = tpu.vector_load_idx %arg11[%add3A_362] : memref<2048xf32, #tpu.memory_space<vmem>>[vector<16xi32>], vector<16xf32>,
      %add3A_364 = arith.constant 16 : i32
      %add3A_365 = arith.addi %mul3A_350, %add3A_364 : i32
      %add3A_366 = vector.broadcast %add3A_365 : i32 to vector<16xi32>
      %add3A_367 = arith.addi %add3A_366, %iota3A : vector<16xi32>
      %gather3A_368 = tpu.vector_load_idx %arg11[%add3A_367] : memref<2048xf32, #tpu.memory_space<vmem>>[vector<16xi32>], vector<16xf32>,
      %add3A_369 = vector.broadcast %mul3A_360 : i32 to vector<16xi32>
      %add3A_370 = arith.addi %add3A_369, %iota3A : vector<16xi32>
      %gather3A_371 = tpu.vector_load_idx %arg11[%add3A_370] : memref<2048xf32, #tpu.memory_space<vmem>>[vector<16xi32>], vector<16xf32>,
      %add3A_372 = arith.constant 16 : i32
      %add3A_373 = arith.addi %mul3A_360, %add3A_372 : i32
      %add3A_374 = vector.broadcast %add3A_373 : i32 to vector<16xi32>
      %add3A_375 = arith.addi %add3A_374, %iota3A : vector<16xi32>
      %gather3A_376 = tpu.vector_load_idx %arg11[%add3A_375] : memref<2048xf32, #tpu.memory_space<vmem>>[vector<16xi32>], vector<16xf32>,
      %slice3A_377 = vector.extract_strided_slice %get3A_294 {offsets = [0], sizes = [1], strides = [1]} : vector<16xi32> to vector<1xi32>
      %squeeze3A_378 = vector.extract %slice3A_377[0] : i32 from vector<1xi32>
      %ge3A = arith.constant 999936 : i32
      %ge3A_379 = arith.cmpi sge, %squeeze3A_378, %ge3A : i32
      %slice3A_380 = vector.extract_strided_slice %get3A_298 {offsets = [0], sizes = [1], strides = [1]} : vector<16xi32> to vector<1xi32>
      %squeeze3A_381 = vector.extract %slice3A_380[0] : i32 from vector<1xi32>
      %ge3A_382 = arith.constant 999936 : i32
      %ge3A_383 = arith.cmpi sge, %squeeze3A_381, %ge3A_382 : i32
      %select_n3A_384 = arith.select %ge3A_379, %gather3A_363, %gather3A : vector<16xf32>
      %select_n3A_385 = arith.select %ge3A_379, %gather3A_368, %gather3A_339 : vector<16xf32>
      %select_n3A_386 = arith.select %ge3A_383, %gather3A_371, %gather3A_340 : vector<16xf32>
      %select_n3A_387 = arith.select %ge3A_383, %gather3A_376, %gather3A_341 : vector<16xf32>
      %mul3A_388 = arith.mulf %select_n3A_384, %select_n3A_386 : vector<16xf32>
      %mul3A_389 = arith.mulf %select_n3A_385, %select_n3A_387 : vector<16xf32>
      %add3A_390 = arith.addf %mul3A_388, %mul3A_389 : vector<16xf32>
      %reduce_sum3A = arith.constant true
      %reduce_sum3A_391 = vector.broadcast %reduce_sum3A : i1 to vector<16xi1>
      %reduce_sum3A_392 = tpu.scan <sum>, %add3A_390 masked %reduce_sum3A_391 : vector<16xf32>, vector<16xi1> -> vector<16xf32>
      %reduce_sum3A_393 = vector.extract %reduce_sum3A_392[15] : f32 from vector<16xf32>
      %mul3A_394 = arith.constant 4 : i32
      %mul3A_395 = arith.muli %scan3A_254, %mul3A_394 : i32
      %add3A_396 = arith.constant 0 : i32
      %add3A_397 = arith.addi %mul3A_395, %add3A_396 : i32
      %jit3A_398 = arith.constant 16 : i32
      %eq3A_399 = arith.constant 0 : i32
      %eq3A_400 = arith.cmpi eq, %jit3A_398, %eq3A_399 : i32
      %jit3A_401 = arith.constant 1 : i32
      %select_n3A_402 = arith.select %eq3A_400, %jit3A_401, %jit3A_398 : i32
      %rem3A_403 = arith.remsi %add3A_397, %select_n3A_402 : i32
      %ne3A_404 = arith.constant 0 : i32
      %ne3A_405 = arith.cmpi ne, %rem3A_403, %ne3A_404 : i32
      %lt3A_406 = arith.constant 0 : i32
      %lt3A_407 = arith.cmpi slt, %rem3A_403, %lt3A_406 : i32
      %lt3A_408 = arith.constant 0 : i32
      %lt3A_409 = arith.cmpi slt, %select_n3A_402, %lt3A_408 : i32
      %ne3A_410 = arith.xori %lt3A_407, %lt3A_409 : i1
      %and3A_411 = arith.andi %ne3A_410, %ne3A_405 : i1
      %add3A_412 = arith.addi %rem3A_403, %select_n3A_402 : i32
      %select_n3A_413 = arith.select %and3A_411, %add3A_412, %rem3A_403 : i32
      %eq3A_414 = vector.broadcast %select_n3A_413 : i32 to vector<16xi32>
      %eq3A_415 = arith.cmpi eq, %iota3A, %eq3A_414 : vector<16xi32>
      %broadcast_in_dim3A_416 = vector.broadcast %reduce_sum3A_393 : f32 to vector<16xf32>
      %select_n3A_417 = arith.select %eq3A_415, %broadcast_in_dim3A_416, %scan3A_255 : vector<16xi1>, vector<16xf32>
      %mul3A_418 = arith.constant 128 : i32
      %mul3A_419 = arith.muli %select_n3A_264, %mul3A_418 : i32
      %add3A_420 = arith.constant 32 : i32
      %add3A_421 = arith.addi %mul3A_419, %add3A_420 : i32
      %add3A_422 = vector.broadcast %add3A_421 : i32 to vector<16xi32>
      %add3A_423 = arith.addi %add3A_422, %iota3A : vector<16xi32>
      %add3A_424 = arith.constant 16 : i32
      %add3A_425 = vector.broadcast %add3A_424 : i32 to vector<16xi32>
      %add3A_426 = arith.addi %add3A_423, %add3A_425 : vector<16xi32>
      %broadcast_in_dim3A_427 = arith.constant 1 : i32
      %broadcast_in_dim3A_428 = vector.broadcast %broadcast_in_dim3A_427 : i32 to vector<16xi32>
      %slice3A_429 = vector.extract_strided_slice %sub3A {offsets = [1], sizes = [1], strides = [1]} : vector<16xi32> to vector<1xi32>
      %squeeze3A_430 = vector.extract %slice3A_429[0] : i32 from vector<1xi32>
      %mul3A_431 = vector.broadcast %squeeze3A_430 : i32 to vector<16xi32>
      %mul3A_432 = arith.muli %broadcast_in_dim3A_428, %mul3A_431 : vector<16xi32>
      %broadcast_in_dim3A_433 = arith.constant 1 : i32
      %broadcast_in_dim3A_434 = vector.broadcast %broadcast_in_dim3A_433 : i32 to vector<16xi32>
      %slice3A_435 = vector.extract_strided_slice %sub3A_317 {offsets = [1], sizes = [1], strides = [1]} : vector<16xi32> to vector<1xi32>
      %squeeze3A_436 = vector.extract %slice3A_435[0] : i32 from vector<1xi32>
      %mul3A_437 = vector.broadcast %squeeze3A_436 : i32 to vector<16xi32>
      %mul3A_438 = arith.muli %broadcast_in_dim3A_434, %mul3A_437 : vector<16xi32>
      %gather3A_439 = tpu.vector_load_idx %arg9[%add3A_423, %mul3A_432] : memref<384x128xf32, #tpu.memory_space<vmem>>[vector<16xi32>, vector<16xi32>], vector<16xf32>,
      %gather3A_440 = tpu.vector_load_idx %arg9[%add3A_426, %mul3A_432] : memref<384x128xf32, #tpu.memory_space<vmem>>[vector<16xi32>, vector<16xi32>], vector<16xf32>,
      %gather3A_441 = tpu.vector_load_idx %arg10[%add3A_423, %mul3A_438] : memref<384x128xf32, #tpu.memory_space<vmem>>[vector<16xi32>, vector<16xi32>], vector<16xf32>,
      %gather3A_442 = tpu.vector_load_idx %arg10[%add3A_426, %mul3A_438] : memref<384x128xf32, #tpu.memory_space<vmem>>[vector<16xi32>, vector<16xi32>], vector<16xf32>,
      %slice3A_443 = vector.extract_strided_slice %get3A_294 {offsets = [1], sizes = [1], strides = [1]} : vector<16xi32> to vector<1xi32>
      %squeeze3A_444 = vector.extract %slice3A_443[0] : i32 from vector<1xi32>
      %sub3A_445 = arith.constant 999936 : i32
      %sub3A_446 = arith.subi %squeeze3A_444, %sub3A_445 : i32
      %jit3A_447 = arith.constant 0 : i32
      %jit3A_448 = arith.constant 63 : i32
      %max3A_449 = arith.maxsi %jit3A_447, %sub3A_446 : i32
      %min3A_450 = arith.minsi %jit3A_448, %max3A_449 : i32
      %mul3A_451 = arith.constant 32 : i32
      %mul3A_452 = arith.muli %min3A_450, %mul3A_451 : i32
      %slice3A_453 = vector.extract_strided_slice %get3A_298 {offsets = [1], sizes = [1], strides = [1]} : vector<16xi32> to vector<1xi32>
      %squeeze3A_454 = vector.extract %slice3A_453[0] : i32 from vector<1xi32>
      %sub3A_455 = arith.constant 999936 : i32
      %sub3A_456 = arith.subi %squeeze3A_454, %sub3A_455 : i32
      %jit3A_457 = arith.constant 0 : i32
      %jit3A_458 = arith.constant 63 : i32
      %max3A_459 = arith.maxsi %jit3A_457, %sub3A_456 : i32
      %min3A_460 = arith.minsi %jit3A_458, %max3A_459 : i32
      %mul3A_461 = arith.constant 32 : i32
      %mul3A_462 = arith.muli %min3A_460, %mul3A_461 : i32
      %add3A_463 = vector.broadcast %mul3A_452 : i32 to vector<16xi32>
      %add3A_464 = arith.addi %add3A_463, %iota3A : vector<16xi32>
      %gather3A_465 = tpu.vector_load_idx %arg11[%add3A_464] : memref<2048xf32, #tpu.memory_space<vmem>>[vector<16xi32>], vector<16xf32>,
      %add3A_466 = arith.constant 16 : i32
      %add3A_467 = arith.addi %mul3A_452, %add3A_466 : i32
      %add3A_468 = vector.broadcast %add3A_467 : i32 to vector<16xi32>
      %add3A_469 = arith.addi %add3A_468, %iota3A : vector<16xi32>
      %gather3A_470 = tpu.vector_load_idx %arg11[%add3A_469] : memref<2048xf32, #tpu.memory_space<vmem>>[vector<16xi32>], vector<16xf32>,
      %add3A_471 = vector.broadcast %mul3A_462 : i32 to vector<16xi32>
      %add3A_472 = arith.addi %add3A_471, %iota3A : vector<16xi32>
      %gather3A_473 = tpu.vector_load_idx %arg11[%add3A_472] : memref<2048xf32, #tpu.memory_space<vmem>>[vector<16xi32>], vector<16xf32>,
      %add3A_474 = arith.constant 16 : i32
      %add3A_475 = arith.addi %mul3A_462, %add3A_474 : i32
      %add3A_476 = vector.broadcast %add3A_475 : i32 to vector<16xi32>
      %add3A_477 = arith.addi %add3A_476, %iota3A : vector<16xi32>
      %gather3A_478 = tpu.vector_load_idx %arg11[%add3A_477] : memref<2048xf32, #tpu.memory_space<vmem>>[vector<16xi32>], vector<16xf32>,
      %slice3A_479 = vector.extract_strided_slice %get3A_294 {offsets = [1], sizes = [1], strides = [1]} : vector<16xi32> to vector<1xi32>
      %squeeze3A_480 = vector.extract %slice3A_479[0] : i32 from vector<1xi32>
      %ge3A_481 = arith.constant 999936 : i32
      %ge3A_482 = arith.cmpi sge, %squeeze3A_480, %ge3A_481 : i32
      %slice3A_483 = vector.extract_strided_slice %get3A_298 {offsets = [1], sizes = [1], strides = [1]} : vector<16xi32> to vector<1xi32>
      %squeeze3A_484 = vector.extract %slice3A_483[0] : i32 from vector<1xi32>
      %ge3A_485 = arith.constant 999936 : i32
      %ge3A_486 = arith.cmpi sge, %squeeze3A_484, %ge3A_485 : i32
      %select_n3A_487 = arith.select %ge3A_482, %gather3A_465, %gather3A_439 : vector<16xf32>
      %select_n3A_488 = arith.select %ge3A_482, %gather3A_470, %gather3A_440 : vector<16xf32>
      %select_n3A_489 = arith.select %ge3A_486, %gather3A_473, %gather3A_441 : vector<16xf32>
      %select_n3A_490 = arith.select %ge3A_486, %gather3A_478, %gather3A_442 : vector<16xf32>
      %mul3A_491 = arith.mulf %select_n3A_487, %select_n3A_489 : vector<16xf32>
      %mul3A_492 = arith.mulf %select_n3A_488, %select_n3A_490 : vector<16xf32>
      %add3A_493 = arith.addf %mul3A_491, %mul3A_492 : vector<16xf32>
      %reduce_sum3A_494 = arith.constant true
      %reduce_sum3A_495 = vector.broadcast %reduce_sum3A_494 : i1 to vector<16xi1>
      %reduce_sum3A_496 = tpu.scan <sum>, %add3A_493 masked %reduce_sum3A_495 : vector<16xf32>, vector<16xi1> -> vector<16xf32>
      %reduce_sum3A_497 = vector.extract %reduce_sum3A_496[15] : f32 from vector<16xf32>
      %mul3A_498 = arith.constant 4 : i32
      %mul3A_499 = arith.muli %scan3A_254, %mul3A_498 : i32
      %add3A_500 = arith.constant 1 : i32
      %add3A_501 = arith.addi %mul3A_499, %add3A_500 : i32
      %jit3A_502 = arith.constant 16 : i32
      %eq3A_503 = arith.constant 0 : i32
      %eq3A_504 = arith.cmpi eq, %jit3A_502, %eq3A_503 : i32
      %jit3A_505 = arith.constant 1 : i32
      %select_n3A_506 = arith.select %eq3A_504, %jit3A_505, %jit3A_502 : i32
      %rem3A_507 = arith.remsi %add3A_501, %select_n3A_506 : i32
      %ne3A_508 = arith.constant 0 : i32
      %ne3A_509 = arith.cmpi ne, %rem3A_507, %ne3A_508 : i32
      %lt3A_510 = arith.constant 0 : i32
      %lt3A_511 = arith.cmpi slt, %rem3A_507, %lt3A_510 : i32
      %lt3A_512 = arith.constant 0 : i32
      %lt3A_513 = arith.cmpi slt, %select_n3A_506, %lt3A_512 : i32
      %ne3A_514 = arith.xori %lt3A_511, %lt3A_513 : i1
      %and3A_515 = arith.andi %ne3A_514, %ne3A_509 : i1
      %add3A_516 = arith.addi %rem3A_507, %select_n3A_506 : i32
      %select_n3A_517 = arith.select %and3A_515, %add3A_516, %rem3A_507 : i32
      %eq3A_518 = vector.broadcast %select_n3A_517 : i32 to vector<16xi32>
      %eq3A_519 = arith.cmpi eq, %iota3A, %eq3A_518 : vector<16xi32>
      %broadcast_in_dim3A_520 = vector.broadcast %reduce_sum3A_497 : f32 to vector<16xf32>
      %select_n3A_521 = arith.select %eq3A_519, %broadcast_in_dim3A_520, %select_n3A_417 : vector<16xi1>, vector<16xf32>
      %mul3A_522 = arith.constant 128 : i32
      %mul3A_523 = arith.muli %select_n3A_264, %mul3A_522 : i32
      %add3A_524 = arith.constant 64 : i32
      %add3A_525 = arith.addi %mul3A_523, %add3A_524 : i32
      %add3A_526 = vector.broadcast %add3A_525 : i32 to vector<16xi32>
      %add3A_527 = arith.addi %add3A_526, %iota3A : vector<16xi32>
      %add3A_528 = arith.constant 16 : i32
      %add3A_529 = vector.broadcast %add3A_528 : i32 to vector<16xi32>
      %add3A_530 = arith.addi %add3A_527, %add3A_529 : vector<16xi32>
      %broadcast_in_dim3A_531 = arith.constant 1 : i32
      %broadcast_in_dim3A_532 = vector.broadcast %broadcast_in_dim3A_531 : i32 to vector<16xi32>
      %slice3A_533 = vector.extract_strided_slice %sub3A {offsets = [2], sizes = [1], strides = [1]} : vector<16xi32> to vector<1xi32>
      %squeeze3A_534 = vector.extract %slice3A_533[0] : i32 from vector<1xi32>
      %mul3A_535 = vector.broadcast %squeeze3A_534 : i32 to vector<16xi32>
      %mul3A_536 = arith.muli %broadcast_in_dim3A_532, %mul3A_535 : vector<16xi32>
      %broadcast_in_dim3A_537 = arith.constant 1 : i32
      %broadcast_in_dim3A_538 = vector.broadcast %broadcast_in_dim3A_537 : i32 to vector<16xi32>
      %slice3A_539 = vector.extract_strided_slice %sub3A_317 {offsets = [2], sizes = [1], strides = [1]} : vector<16xi32> to vector<1xi32>
      %squeeze3A_540 = vector.extract %slice3A_539[0] : i32 from vector<1xi32>
      %mul3A_541 = vector.broadcast %squeeze3A_540 : i32 to vector<16xi32>
      %mul3A_542 = arith.muli %broadcast_in_dim3A_538, %mul3A_541 : vector<16xi32>
      %gather3A_543 = tpu.vector_load_idx %arg9[%add3A_527, %mul3A_536] : memref<384x128xf32, #tpu.memory_space<vmem>>[vector<16xi32>, vector<16xi32>], vector<16xf32>,
      %gather3A_544 = tpu.vector_load_idx %arg9[%add3A_530, %mul3A_536] : memref<384x128xf32, #tpu.memory_space<vmem>>[vector<16xi32>, vector<16xi32>], vector<16xf32>,
      %gather3A_545 = tpu.vector_load_idx %arg10[%add3A_527, %mul3A_542] : memref<384x128xf32, #tpu.memory_space<vmem>>[vector<16xi32>, vector<16xi32>], vector<16xf32>,
      %gather3A_546 = tpu.vector_load_idx %arg10[%add3A_530, %mul3A_542] : memref<384x128xf32, #tpu.memory_space<vmem>>[vector<16xi32>, vector<16xi32>], vector<16xf32>,
      %slice3A_547 = vector.extract_strided_slice %get3A_294 {offsets = [2], sizes = [1], strides = [1]} : vector<16xi32> to vector<1xi32>
      %squeeze3A_548 = vector.extract %slice3A_547[0] : i32 from vector<1xi32>
      %sub3A_549 = arith.constant 999936 : i32
      %sub3A_550 = arith.subi %squeeze3A_548, %sub3A_549 : i32
      %jit3A_551 = arith.constant 0 : i32
      %jit3A_552 = arith.constant 63 : i32
      %max3A_553 = arith.maxsi %jit3A_551, %sub3A_550 : i32
      %min3A_554 = arith.minsi %jit3A_552, %max3A_553 : i32
      %mul3A_555 = arith.constant 32 : i32
      %mul3A_556 = arith.muli %min3A_554, %mul3A_555 : i32
      %slice3A_557 = vector.extract_strided_slice %get3A_298 {offsets = [2], sizes = [1], strides = [1]} : vector<16xi32> to vector<1xi32>
      %squeeze3A_558 = vector.extract %slice3A_557[0] : i32 from vector<1xi32>
      %sub3A_559 = arith.constant 999936 : i32
      %sub3A_560 = arith.subi %squeeze3A_558, %sub3A_559 : i32
      %jit3A_561 = arith.constant 0 : i32
      %jit3A_562 = arith.constant 63 : i32
      %max3A_563 = arith.maxsi %jit3A_561, %sub3A_560 : i32
      %min3A_564 = arith.minsi %jit3A_562, %max3A_563 : i32
      %mul3A_565 = arith.constant 32 : i32
      %mul3A_566 = arith.muli %min3A_564, %mul3A_565 : i32
      %add3A_567 = vector.broadcast %mul3A_556 : i32 to vector<16xi32>
      %add3A_568 = arith.addi %add3A_567, %iota3A : vector<16xi32>
      %gather3A_569 = tpu.vector_load_idx %arg11[%add3A_568] : memref<2048xf32, #tpu.memory_space<vmem>>[vector<16xi32>], vector<16xf32>,
      %add3A_570 = arith.constant 16 : i32
      %add3A_571 = arith.addi %mul3A_556, %add3A_570 : i32
      %add3A_572 = vector.broadcast %add3A_571 : i32 to vector<16xi32>
      %add3A_573 = arith.addi %add3A_572, %iota3A : vector<16xi32>
      %gather3A_574 = tpu.vector_load_idx %arg11[%add3A_573] : memref<2048xf32, #tpu.memory_space<vmem>>[vector<16xi32>], vector<16xf32>,
      %add3A_575 = vector.broadcast %mul3A_566 : i32 to vector<16xi32>
      %add3A_576 = arith.addi %add3A_575, %iota3A : vector<16xi32>
      %gather3A_577 = tpu.vector_load_idx %arg11[%add3A_576] : memref<2048xf32, #tpu.memory_space<vmem>>[vector<16xi32>], vector<16xf32>,
      %add3A_578 = arith.constant 16 : i32
      %add3A_579 = arith.addi %mul3A_566, %add3A_578 : i32
      %add3A_580 = vector.broadcast %add3A_579 : i32 to vector<16xi32>
      %add3A_581 = arith.addi %add3A_580, %iota3A : vector<16xi32>
      %gather3A_582 = tpu.vector_load_idx %arg11[%add3A_581] : memref<2048xf32, #tpu.memory_space<vmem>>[vector<16xi32>], vector<16xf32>,
      %slice3A_583 = vector.extract_strided_slice %get3A_294 {offsets = [2], sizes = [1], strides = [1]} : vector<16xi32> to vector<1xi32>
      %squeeze3A_584 = vector.extract %slice3A_583[0] : i32 from vector<1xi32>
      %ge3A_585 = arith.constant 999936 : i32
      %ge3A_586 = arith.cmpi sge, %squeeze3A_584, %ge3A_585 : i32
      %slice3A_587 = vector.extract_strided_slice %get3A_298 {offsets = [2], sizes = [1], strides = [1]} : vector<16xi32> to vector<1xi32>
      %squeeze3A_588 = vector.extract %slice3A_587[0] : i32 from vector<1xi32>
      %ge3A_589 = arith.constant 999936 : i32
      %ge3A_590 = arith.cmpi sge, %squeeze3A_588, %ge3A_589 : i32
      %select_n3A_591 = arith.select %ge3A_586, %gather3A_569, %gather3A_543 : vector<16xf32>
      %select_n3A_592 = arith.select %ge3A_586, %gather3A_574, %gather3A_544 : vector<16xf32>
      %select_n3A_593 = arith.select %ge3A_590, %gather3A_577, %gather3A_545 : vector<16xf32>
      %select_n3A_594 = arith.select %ge3A_590, %gather3A_582, %gather3A_546 : vector<16xf32>
      %mul3A_595 = arith.mulf %select_n3A_591, %select_n3A_593 : vector<16xf32>
      %mul3A_596 = arith.mulf %select_n3A_592, %select_n3A_594 : vector<16xf32>
      %add3A_597 = arith.addf %mul3A_595, %mul3A_596 : vector<16xf32>
      %reduce_sum3A_598 = arith.constant true
      %reduce_sum3A_599 = vector.broadcast %reduce_sum3A_598 : i1 to vector<16xi1>
      %reduce_sum3A_600 = tpu.scan <sum>, %add3A_597 masked %reduce_sum3A_599 : vector<16xf32>, vector<16xi1> -> vector<16xf32>
      %reduce_sum3A_601 = vector.extract %reduce_sum3A_600[15] : f32 from vector<16xf32>
      %mul3A_602 = arith.constant 4 : i32
      %mul3A_603 = arith.muli %scan3A_254, %mul3A_602 : i32
      %add3A_604 = arith.constant 2 : i32
      %add3A_605 = arith.addi %mul3A_603, %add3A_604 : i32
      %jit3A_606 = arith.constant 16 : i32
      %eq3A_607 = arith.constant 0 : i32
      %eq3A_608 = arith.cmpi eq, %jit3A_606, %eq3A_607 : i32
      %jit3A_609 = arith.constant 1 : i32
      %select_n3A_610 = arith.select %eq3A_608, %jit3A_609, %jit3A_606 : i32
      %rem3A_611 = arith.remsi %add3A_605, %select_n3A_610 : i32
      %ne3A_612 = arith.constant 0 : i32
      %ne3A_613 = arith.cmpi ne, %rem3A_611, %ne3A_612 : i32
      %lt3A_614 = arith.constant 0 : i32
      %lt3A_615 = arith.cmpi slt, %rem3A_611, %lt3A_614 : i32
      %lt3A_616 = arith.constant 0 : i32
      %lt3A_617 = arith.cmpi slt, %select_n3A_610, %lt3A_616 : i32
      %ne3A_618 = arith.xori %lt3A_615, %lt3A_617 : i1
      %and3A_619 = arith.andi %ne3A_618, %ne3A_613 : i1
      %add3A_620 = arith.addi %rem3A_611, %select_n3A_610 : i32
      %select_n3A_621 = arith.select %and3A_619, %add3A_620, %rem3A_611 : i32
      %eq3A_622 = vector.broadcast %select_n3A_621 : i32 to vector<16xi32>
      %eq3A_623 = arith.cmpi eq, %iota3A, %eq3A_622 : vector<16xi32>
      %broadcast_in_dim3A_624 = vector.broadcast %reduce_sum3A_601 : f32 to vector<16xf32>
      %select_n3A_625 = arith.select %eq3A_623, %broadcast_in_dim3A_624, %select_n3A_521 : vector<16xi1>, vector<16xf32>
      %mul3A_626 = arith.constant 128 : i32
      %mul3A_627 = arith.muli %select_n3A_264, %mul3A_626 : i32
      %add3A_628 = arith.constant 96 : i32
      %add3A_629 = arith.addi %mul3A_627, %add3A_628 : i32
      %add3A_630 = vector.broadcast %add3A_629 : i32 to vector<16xi32>
      %add3A_631 = arith.addi %add3A_630, %iota3A : vector<16xi32>
      %add3A_632 = arith.constant 16 : i32
      %add3A_633 = vector.broadcast %add3A_632 : i32 to vector<16xi32>
      %add3A_634 = arith.addi %add3A_631, %add3A_633 : vector<16xi32>
      %broadcast_in_dim3A_635 = arith.constant 1 : i32
      %broadcast_in_dim3A_636 = vector.broadcast %broadcast_in_dim3A_635 : i32 to vector<16xi32>
      %slice3A_637 = vector.extract_strided_slice %sub3A {offsets = [3], sizes = [1], strides = [1]} : vector<16xi32> to vector<1xi32>
      %squeeze3A_638 = vector.extract %slice3A_637[0] : i32 from vector<1xi32>
      %mul3A_639 = vector.broadcast %squeeze3A_638 : i32 to vector<16xi32>
      %mul3A_640 = arith.muli %broadcast_in_dim3A_636, %mul3A_639 : vector<16xi32>
      %broadcast_in_dim3A_641 = arith.constant 1 : i32
      %broadcast_in_dim3A_642 = vector.broadcast %broadcast_in_dim3A_641 : i32 to vector<16xi32>
      %slice3A_643 = vector.extract_strided_slice %sub3A_317 {offsets = [3], sizes = [1], strides = [1]} : vector<16xi32> to vector<1xi32>
      %squeeze3A_644 = vector.extract %slice3A_643[0] : i32 from vector<1xi32>
      %mul3A_645 = vector.broadcast %squeeze3A_644 : i32 to vector<16xi32>
      %mul3A_646 = arith.muli %broadcast_in_dim3A_642, %mul3A_645 : vector<16xi32>
      %gather3A_647 = tpu.vector_load_idx %arg9[%add3A_631, %mul3A_640] : memref<384x128xf32, #tpu.memory_space<vmem>>[vector<16xi32>, vector<16xi32>], vector<16xf32>,
      %gather3A_648 = tpu.vector_load_idx %arg9[%add3A_634, %mul3A_640] : memref<384x128xf32, #tpu.memory_space<vmem>>[vector<16xi32>, vector<16xi32>], vector<16xf32>,
      %gather3A_649 = tpu.vector_load_idx %arg10[%add3A_631, %mul3A_646] : memref<384x128xf32, #tpu.memory_space<vmem>>[vector<16xi32>, vector<16xi32>], vector<16xf32>,
      %gather3A_650 = tpu.vector_load_idx %arg10[%add3A_634, %mul3A_646] : memref<384x128xf32, #tpu.memory_space<vmem>>[vector<16xi32>, vector<16xi32>], vector<16xf32>,
      %slice3A_651 = vector.extract_strided_slice %get3A_294 {offsets = [3], sizes = [1], strides = [1]} : vector<16xi32> to vector<1xi32>
      %squeeze3A_652 = vector.extract %slice3A_651[0] : i32 from vector<1xi32>
      %sub3A_653 = arith.constant 999936 : i32
      %sub3A_654 = arith.subi %squeeze3A_652, %sub3A_653 : i32
      %jit3A_655 = arith.constant 0 : i32
      %jit3A_656 = arith.constant 63 : i32
      %max3A_657 = arith.maxsi %jit3A_655, %sub3A_654 : i32
      %min3A_658 = arith.minsi %jit3A_656, %max3A_657 : i32
      %mul3A_659 = arith.constant 32 : i32
      %mul3A_660 = arith.muli %min3A_658, %mul3A_659 : i32
      %slice3A_661 = vector.extract_strided_slice %get3A_298 {offsets = [3], sizes = [1], strides = [1]} : vector<16xi32> to vector<1xi32>
      %squeeze3A_662 = vector.extract %slice3A_661[0] : i32 from vector<1xi32>
      %sub3A_663 = arith.constant 999936 : i32
      %sub3A_664 = arith.subi %squeeze3A_662, %sub3A_663 : i32
      %jit3A_665 = arith.constant 0 : i32
      %jit3A_666 = arith.constant 63 : i32
      %max3A_667 = arith.maxsi %jit3A_665, %sub3A_664 : i32
      %min3A_668 = arith.minsi %jit3A_666, %max3A_667 : i32
      %mul3A_669 = arith.constant 32 : i32
      %mul3A_670 = arith.muli %min3A_668, %mul3A_669 : i32
      %add3A_671 = vector.broadcast %mul3A_660 : i32 to vector<16xi32>
      %add3A_672 = arith.addi %add3A_671, %iota3A : vector<16xi32>
      %gather3A_673 = tpu.vector_load_idx %arg11[%add3A_672] : memref<2048xf32, #tpu.memory_space<vmem>>[vector<16xi32>], vector<16xf32>,
      %add3A_674 = arith.constant 16 : i32
      %add3A_675 = arith.addi %mul3A_660, %add3A_674 : i32
      %add3A_676 = vector.broadcast %add3A_675 : i32 to vector<16xi32>
      %add3A_677 = arith.addi %add3A_676, %iota3A : vector<16xi32>
      %gather3A_678 = tpu.vector_load_idx %arg11[%add3A_677] : memref<2048xf32, #tpu.memory_space<vmem>>[vector<16xi32>], vector<16xf32>,
      %add3A_679 = vector.broadcast %mul3A_670 : i32 to vector<16xi32>
      %add3A_680 = arith.addi %add3A_679, %iota3A : vector<16xi32>
      %gather3A_681 = tpu.vector_load_idx %arg11[%add3A_680] : memref<2048xf32, #tpu.memory_space<vmem>>[vector<16xi32>], vector<16xf32>,
      %add3A_682 = arith.constant 16 : i32
      %add3A_683 = arith.addi %mul3A_670, %add3A_682 : i32
      %add3A_684 = vector.broadcast %add3A_683 : i32 to vector<16xi32>
      %add3A_685 = arith.addi %add3A_684, %iota3A : vector<16xi32>
      %gather3A_686 = tpu.vector_load_idx %arg11[%add3A_685] : memref<2048xf32, #tpu.memory_space<vmem>>[vector<16xi32>], vector<16xf32>,
      %slice3A_687 = vector.extract_strided_slice %get3A_294 {offsets = [3], sizes = [1], strides = [1]} : vector<16xi32> to vector<1xi32>
      %squeeze3A_688 = vector.extract %slice3A_687[0] : i32 from vector<1xi32>
      %ge3A_689 = arith.constant 999936 : i32
      %ge3A_690 = arith.cmpi sge, %squeeze3A_688, %ge3A_689 : i32
      %slice3A_691 = vector.extract_strided_slice %get3A_298 {offsets = [3], sizes = [1], strides = [1]} : vector<16xi32> to vector<1xi32>
      %squeeze3A_692 = vector.extract %slice3A_691[0] : i32 from vector<1xi32>
      %ge3A_693 = arith.constant 999936 : i32
      %ge3A_694 = arith.cmpi sge, %squeeze3A_692, %ge3A_693 : i32
      %select_n3A_695 = arith.select %ge3A_690, %gather3A_673, %gather3A_647 : vector<16xf32>
      %select_n3A_696 = arith.select %ge3A_690, %gather3A_678, %gather3A_648 : vector<16xf32>
      %select_n3A_697 = arith.select %ge3A_694, %gather3A_681, %gather3A_649 : vector<16xf32>
      %select_n3A_698 = arith.select %ge3A_694, %gather3A_686, %gather3A_650 : vector<16xf32>
      %mul3A_699 = arith.mulf %select_n3A_695, %select_n3A_697 : vector<16xf32>
      %mul3A_700 = arith.mulf %select_n3A_696, %select_n3A_698 : vector<16xf32>
      %add3A_701 = arith.addf %mul3A_699, %mul3A_700 : vector<16xf32>
      %reduce_sum3A_702 = arith.constant true
      %reduce_sum3A_703 = vector.broadcast %reduce_sum3A_702 : i1 to vector<16xi1>
      %reduce_sum3A_704 = tpu.scan <sum>, %add3A_701 masked %reduce_sum3A_703 : vector<16xf32>, vector<16xi1> -> vector<16xf32>
      %reduce_sum3A_705 = vector.extract %reduce_sum3A_704[15] : f32 from vector<16xf32>
      %mul3A_706 = arith.constant 4 : i32
      %mul3A_707 = arith.muli %scan3A_254, %mul3A_706 : i32
      %add3A_708 = arith.constant 3 : i32
      %add3A_709 = arith.addi %mul3A_707, %add3A_708 : i32
      %jit3A_710 = arith.constant 16 : i32
      %eq3A_711 = arith.constant 0 : i32
      %eq3A_712 = arith.cmpi eq, %jit3A_710, %eq3A_711 : i32
      %jit3A_713 = arith.constant 1 : i32
      %select_n3A_714 = arith.select %eq3A_712, %jit3A_713, %jit3A_710 : i32
      %rem3A_715 = arith.remsi %add3A_709, %select_n3A_714 : i32
      %ne3A_716 = arith.constant 0 : i32
      %ne3A_717 = arith.cmpi ne, %rem3A_715, %ne3A_716 : i32
      %lt3A_718 = arith.constant 0 : i32
      %lt3A_719 = arith.cmpi slt, %rem3A_715, %lt3A_718 : i32
      %lt3A_720 = arith.constant 0 : i32
      %lt3A_721 = arith.cmpi slt, %select_n3A_714, %lt3A_720 : i32
      %ne3A_722 = arith.xori %lt3A_719, %lt3A_721 : i1
      %and3A_723 = arith.andi %ne3A_722, %ne3A_717 : i1
      %add3A_724 = arith.addi %rem3A_715, %select_n3A_714 : i32
      %select_n3A_725 = arith.select %and3A_723, %add3A_724, %rem3A_715 : i32
      %eq3A_726 = vector.broadcast %select_n3A_725 : i32 to vector<16xi32>
      %eq3A_727 = arith.cmpi eq, %iota3A, %eq3A_726 : vector<16xi32>
      %broadcast_in_dim3A_728 = vector.broadcast %reduce_sum3A_705 : f32 to vector<16xf32>
      %select_n3A_729 = arith.select %eq3A_727, %broadcast_in_dim3A_728, %select_n3A_625 : vector<16xi1>, vector<16xf32>
      %and3A_730 = arith.constant 3 : i32
      %and3A_731 = arith.andi %scan3A_254, %and3A_730 : i32
      %eq3A_732 = arith.constant 3 : i32
      %eq3A_733 = arith.cmpi eq, %and3A_731, %eq3A_732 : i32
      %convert_element_type3A_734 = arith.extui %eq3A_733 : i1 to i32
      %cond3A_735 = arith.constant 0 : i32
      %cond3A_736 = arith.cmpi ne, %convert_element_type3A_734, %cond3A_735 : i32
      scf.if %cond3A_736 {
        %neg3A = arith.constant 0.000000e+00 : f32
        %neg3A_737 = vector.broadcast %neg3A : f32 to vector<16xf32>
        %neg3A_738 = arith.subf %neg3A_737, %select_n3A_729 : vector<16xf32>
        %exp3A = math.exp %neg3A_738 : vector<16xf32>
        %add3A_739 = arith.constant 1.000000e+00 : f32
        %add3A_740 = vector.broadcast %add3A_739 : f32 to vector<16xf32>
        %add3A_741 = arith.addf %add3A_740, %exp3A : vector<16xf32>
        %div3A = arith.constant 1.000000e+00 : f32
        %div3A_742 = vector.broadcast %div3A : f32 to vector<16xf32>
        %div3A_743 = arith.divf %div3A_742, %add3A_741 : vector<16xf32>
        %sub3A_744 = arith.constant 3 : i32
        %sub3A_745 = arith.subi %scan3A_254, %sub3A_744 : i32
        %mul3A_746 = arith.constant 4 : i32
        %mul3A_747 = arith.muli %sub3A_745, %mul3A_746 : i32
        %swap3A = arith.index_cast %mul3A_747 : i32 to index
        %swap3A_748 = tpu.vector_load %arg12[%swap3A] {strides = array<i32>} : memref<512xf32, #tpu.memory_space<vmem>>, vector<16xf32>,
        tpu.vector_store %arg12[%swap3A], %div3A_743 {strides = array<i32>} : memref<512xf32, #tpu.memory_space<vmem>>, vector<16xf32>,
      } else {
      }
      scf.yield %select_n3A_729 : vector<16xf32>
    }
    %scan3A_253 = arith.constant 128 : i32
    "tpu.region"() ({
      %run_scoped3A = tpu.sem_alloc : memref<!tpu.dma_semaphore, #tpu.memory_space<semaphore_mem>>
      %dma_start3A_254 = tpu.memref_slice %arg6[%mul3A_2] : memref<16384xf32, #tpu.memory_space<hbm>> -> memref<512xf32, #tpu.memory_space<hbm>>
      %dma_start3A_255 = tpu.memref_slice %arg6[%mul3A_2] : memref<16384xf32, #tpu.memory_space<hbm>> -> memref<512xf32, #tpu.memory_space<hbm>>
      tpu.enqueue_dma source(%arg12 : memref<512xf32, #tpu.memory_space<vmem>>) target(%dma_start3A_255 : memref<512xf32, #tpu.memory_space<hbm>>) target_semaphore(%run_scoped3A : memref<!tpu.dma_semaphore, #tpu.memory_space<semaphore_mem>>)
      %dma_wait3A = tpu.memref_slice %arg6[%mul3A_2] : memref<16384xf32, #tpu.memory_space<hbm>> -> memref<512xf32, #tpu.memory_space<hbm>>
      %dma_wait3A_256 = tpu.memref_slice %arg6[%mul3A_2] : memref<16384xf32, #tpu.memory_space<hbm>> -> memref<512xf32, #tpu.memory_space<hbm>>
      tpu.wait_dma2 semaphore(%run_scoped3A : memref<!tpu.dma_semaphore, #tpu.memory_space<semaphore_mem>>) src(%arg12 : memref<512xf32, #tpu.memory_space<vmem>>) dst(%dma_wait3A_256 : memref<512xf32, #tpu.memory_space<hbm>>)
      tpu.yield
    }) : () -> ()
    return
  }
}

</mosaic_0001>

<sc_bundles>
// kernel: kernel.3.cloned.1.call-start
scs
__scs_entry_jumppad:
0x0: {  	(pc) =	sbr.rel $0x88, $3  }
0x1: {  	(tag) =	ssettag $0x0;
	lr =	simm.s32 $0x1  }
0x2: {  	[smem:$0x3F9E] =	sst lr;
	_ =	strace $0xD0000000  }
0x3: {  	_ = 	snop  }
0x4: {  	_ = 	snop  }
0x5: {  	_ = 	snop  }
0x6: {  	_ = 	snop  }
0x7: {  	_ = 	snop  }
__scs_overlays_trampoline_lowered:
0x8: {  	[smem:$0x3FAD] =	sst s0  }
0x9: {  	[smem:$0x3FAE] =	sst s1  }
0xa: {  	[smem:$0x3FAF] =	sst s2  }
0xb: {  	[smem:$0x3FB0] =	sst s3  }
0xc: {  	[smem:$0x3FB1] =	sst s4  }
0xd: {  	[smem:$0x3FB2] =	sst s5  }
0xe: {  	[smem:$0x3FB3] =	sst s6  }
0xf: {  	[smem:$0x3FB4] =	sst s7  }
0x10: {  	[smem:$0x3FB5] =	sst s8  }
0x11: {  	[smem:$0x3FB6] =	sst s9;
	s0 =	simm.s32 @!p0 $0x0  }
0x12: {  	s1 =	sld [smem:$0x3F9C];
	s0 =	simm.s32 @p0 $0x1  }
0x13: {  	[smem:$0x3FB7] =	sst s0;
	s0 =	simm.s32 @!p1 $0x0  }
0x14: {  	s2 =	sld [smem:$0x3F9B];
	s0 =	simm.s32 @p1 $0x1  }
0x15: {  	[smem:$0x3FB8] =	sst s0;
	s0 =	simm.s32 @!p2 $0x0  }
0x16: {  	s3 =	sld [smem:$0x3FDB];
	s0 =	simm.s32 @p2 $0x1  }
0x17: {  	s4 =	simm.s32 $0x1BF5;
	[smem:$0x3FBA] =	sst s0  }
0x18: {  	s0 =	sld [smem:$0x3F9D];
	_ =	swait.ge [sflag:s4], $0x0  }
0x19: {  	s7 =	sld [smem:$0x3F9E]  }
0x1a: {  	s8 =	sadd.s32 $0xFFFFE003, lr  }
0x1b: {  	s9 =	sadd.s32 $0xFFFFFEF7, lr;
	s5 =	simm.s32 $0xFFFFFFFF;
	p2 =	slt.u32 s8, $0xFFFFF086  }
0x1c: {  	p1 =	slt.u32 s9, $0xF7A;
	s5 =	simm.s32 @!p2 $0x0  }
0x1d: {  	s5 =	simm.s32 @p1 $0x1;
	p0 =	seq.s32 s7, s2  }
0x1e: {  	s7 =	smul.u32 @!p0 $0xF7A, s2;
	p2 =	seq.s32 @!p0 s5, $0x0  }
0x1f: {  	s9 =	smul.u32 $0xF7A, s1;
	s8 =	simm.s32 @!p0 $0x1BF5;
	p2 =	por !p2, p0  }
0x20: {  	[sflag:s8] =	ssyncset.s32 @!p0 $0xFFFFF086;
	s6 =	sadd.s32 @!p0 s3, s7;
	s7 =	simm.s32 @!p0 $0x108  }
0x21: {  	s3 =	sadd.s32 s3, s9;
	s6 =	sadd.s32 @!p0 $0x88, s6;
	s7 =	simm.s32 @p2 $0x1082  }
0x22: {  	[simem:s7], [sflag:s8] =	dma.local @!p0 [hbm:s6], $0xF7A  }
0x23: {  	s9 =	sor.u32 $0xD0000000, s2;
	s6 =	simm.s32 $0x108;
	_ =	swait.ge @!p0 [sflag:s8], $0x0  }
0x24: {  	s3 =	sadd.s32 $0x88, s3;
	s6 =	simm.s32 @!p1 $0x1082;
	[sflag:s4] =	ssyncset.s32 $0xFFFFF086  }
0x25: {  	[simem:s6], [sflag:s4] =	dma.local [hbm:s3], $0xF7A  }
0x26: {  	[smem:$0x3F9E] =	sst s1;
	(tag) =	ssettag s2;
	_ =	strace s9  }
0x27: {  	s1 =	sld [smem:$0x3FAE]  }
0x28: {  	s2 =	sld [smem:$0x3FAF]  }
0x29: {  	s4 =	sld [smem:$0x3FB1]  }
0x2a: {  	p0 =	seq.s32 s5, $0x0;
	s5 =	sld [smem:$0x3FB2]  }
0x2b: {  	s6 =	sld [smem:$0x3FB3]  }
0x2c: {  	s7 =	sld [smem:$0x3FB4]  }
0x2d: {  	s3 =	simm.s32 $0x108;
	s8 =	sld [smem:$0x3FB5]  }
0x2e: {  	s3 =	simm.s32 @!p0 $0x1082;
	s9 =	sld [smem:$0x3FB6]  }
0x2f: {  	lr =	sadd.s32 s0, s3;
	s0 =	sld [smem:$0x3FAD]  }
0x30: {  	s3 =	sld [smem:$0x3FB0]  }
0x31: {  	[smem:$0x3FB9] =	sst s10  }
0x32: {  	s10 =	sld [smem:$0x3FB7];
	_ =	sdelay $0x3  }
0x33: {  	p0 =	seq.s32 s10, $0x1;
	s10 =	sld [smem:$0x3FB9];
	_ =	sdelay $0x3  }
0x34: {  	[smem:$0x3FB9] =	sst s10  }
0x35: {  	s10 =	sld [smem:$0x3FB8];
	_ =	sdelay $0x3  }
0x36: {  	p1 =	seq.s32 s10, $0x1;
	s10 =	sld [smem:$0x3FB9];
	_ =	sdelay $0x3  }
0x37: {  	[smem:$0x3FB9] =	sst s10  }
0x38: {  	s10 =	sld [smem:$0x3FBA]  }
0x39: {  	_ = 	snop;
	(pc) =	sbr.ind lr, $3  }
0x3a: {  	_ = 	snop  }
0x3b: {  	_ = 	snop  }
0x3c: {  	p2 =	seq.s32 s10, $0x1;
	s10 =	sld [smem:$0x3FB9]  }
0x3d: {  	_ =	shalt  }
0x3e: {  	_ =	shalt  }
0x3f: {  	_ =	shalt  }
0x40: {  	_ =	shalt  }
0x41: {  	_ =	shalt  }
0x42: {  	_ =	shalt  }
0x43: {  	_ =	shalt  }
0x44: {  	_ =	shalt  }
0x45: {  	_ =	shalt  }
0x46: {  	_ =	shalt  }
0x47: {  	_ =	shalt  }
0x48: {  	_ =	shalt  }
0x49: {  	_ =	shalt  }
0x4a: {  	_ =	shalt  }
0x4b: {  	_ =	shalt  }
0x4c: {  	_ =	shalt  }
0x4d: {  	_ =	shalt  }
0x4e: {  	_ =	shalt  }
0x4f: {  	_ =	shalt  }
0x50: {  	_ =	shalt  }
0x51: {  	_ =	shalt  }
0x52: {  	_ =	shalt  }
0x53: {  	_ =	shalt  }
0x54: {  	_ =	shalt  }
0x55: {  	_ =	shalt  }
0x56: {  	_ =	shalt  }
0x57: {  	_ =	shalt  }
0x58: {  	_ =	shalt  }
0x59: {  	_ =	shalt  }
0x5a: {  	_ =	shalt  }
0x5b: {  	_ =	shalt  }
0x5c: {  	_ =	shalt  }
0x5d: {  	_ =	shalt  }
0x5e: {  	_ =	shalt  }
0x5f: {  	_ =	shalt  }
0x60: {  	_ =	shalt  }
0x61: {  	_ =	shalt  }
0x62: {  	_ =	shalt  }
0x63: {  	_ =	shalt  }
0x64: {  	_ =	shalt  }
0x65: {  	_ =	shalt  }
0x66: {  	_ =	shalt  }
0x67: {  	_ =	shalt  }
0x68: {  	_ =	shalt  }
0x69: {  	_ =	shalt  }
0x6a: {  	_ =	shalt  }
0x6b: {  	_ =	shalt  }
0x6c: {  	_ =	shalt  }
0x6d: {  	_ =	shalt  }
0x6e: {  	_ =	shalt  }
0x6f: {  	_ =	shalt  }
0x70: {  	_ =	shalt  }
0x71: {  	_ =	shalt  }
0x72: {  	_ =	shalt  }
0x73: {  	_ =	shalt  }
0x74: {  	_ =	shalt  }
0x75: {  	_ =	shalt  }
0x76: {  	_ =	shalt  }
0x77: {  	_ =	shalt  }
0x78: {  	_ =	shalt  }
0x79: {  	_ =	shalt  }
0x7a: {  	_ =	shalt  }
0x7b: {  	_ =	shalt  }
0x7c: {  	_ =	shalt  }
0x7d: {  	_ =	shalt  }
0x7e: {  	_ =	shalt  }
0x7f: {  	_ =	shalt  }
0x80: {  	_ =	shalt  }
0x81: {  	_ =	shalt  }
0x82: {  	_ =	shalt  }
0x83: {  	_ =	shalt  }
0x84: {  	_ =	shalt  }
0x85: {  	_ =	shalt  }
0x86: {  	_ =	shalt  }
0x87: {  	_ =	shalt  }
.Lfunc_end0:
.L_simem_size_0:
called_computation_lowered:
.L_overlay_start_0:
0x88: {  	s2 =	sld [smem:$0x3FD9]  }
0x89: {  	s3 =	sld [smem:$0x3FFE];
	_ =	sdelay $0x1  }
0x8a: {  	s1 =	srdreg.scid  }
0x8b: {  	s0 =	sand.u32 $0x1, s1  }
0x8c: {  	s17 =	sshll.u32 s0, $0xA;
	s2 =	sadd.s32 s3, s2  }
0x8d: {  	s2 =	sadd.s32 s2, s17  }
0x8e: {  	[smem:$0x3FC5] =	sst s2  }
0x8f: {  	_ = 	snop  }
0x90: {  	s2 =	sld [smem:$0x3FC7]  }
0x91: {  	s18 =	sld [smem:$0x3FD0];
	(tm) =	ssettm $0x1  }
0x92: {  	s4 =	sld [smem:$0x3FFB];
	_ =	sdelay $0x3  }
0x93: {  	_ =	strace s4  }
0x94: {  	s4 =	sld [smem:$0x3FFC];
	_ =	sdelay $0x3  }
0x95: {  	_ =	strace s4  }
0x96: {  	s4 =	sld [smem:$0x3FFD];
	_ =	sdelay $0x3  }
0x97: {  	_ =	strace s4  }
0x98: {  	_ =	strace $0x8FFFFFFF  }
0x99: {  	s19 =	sld [smem:$0x3FDB];
	_ =	sdelay $0x1  }
0x9a: {  	s5 =	simm.s32 $_scs_section_size  }
0x9b: {  	s6 =	simm.s32 $_size__tile_overlayer_lowered;
	s7 =	simm.s32 $_tile_overlayer_lowered  }
0x9c: {  	s22 =	simm.s32 $0x1BFF;
	s21 =	sshll.u32 s7, $0x1;
	s4 =	sadd.s32 s5, s19  }
0x9d: {  	s8 =	simm.s32 $0x0;
	s20 =	sshll.u32 s6, $0x1;
	s6 =	sadd.s32 s21, s4  }
0x9e: {  	[timem:s8], [sflag:s22] =	dma.local [hbm:s6], s20  }
0x9f: {  	_ =	swait.ge [sflag:s22], s20  }
0xa0: {  	s5 =	ssub.s32 $0x0, s20;
	[sflag:s22] =	ssyncset.done $0x0  }
0xa1: {  	[sflag:s22] =	ssyncadd.s32 s5;
	_ =	sdelay $0x1  }
0xa2: {  	s23 =	simm.s32 $0x1B8B  }
0xa3: {  	_ =	swait.ge [sflag:s23], $0x1  }
0xa4: {  	[sflag:s23] =	ssyncset.done $0x0  }
0xa5: {  	s25 =	simm.s32 $0x1B8E;
	s24 =	sld [smem:$0x3FFE];
	[sflag:s23] =	ssyncadd.s32 $0xFFFFFFFF  }
0xa6: {  	s26 =	simm.s32 $execute0_lowered;
	[smem:$0x3FD2] =	sst s25  }
0xa7: {  	s6 =	sshll.u32 s26, $0x1;
	_ =	strace $0x80000046;
	[dreg:$0x1] =	wrdreg $0xFFFFFFFF  }
0xa8: {  	s28 =	simm.s32 $_size_execute0_lowered;
	s4 =	sadd.s32 s4, s6;
	[dreg:$0x0] =	wrdreg $0x0  }
0xa9: {  	s6 =	sshll.u32 s28, $0x1;
	[dreg:$0x2] =	wrdreg s4  }
0xaa: {  	[dreg:$0x3] =	wrdreg s6  }
0xab: {  	[dreg:$0x4] =	wrdreg $0xC0  }
0xac: {  	_ =	task [dreg:s8], $0x5FFFF  }
0xad: {  	[dreg:$0x1] =	wrdreg $0xFFFFFFFF  }
0xae: {  	[dreg:$0x0] =	wrdreg $0x60  }
0xaf: {  	[dreg:$0x2] =	wrdreg s24  }
0xb0: {  	[dreg:$0x3] =	wrdreg s2  }
0xb1: {  	[dreg:$0x4] =	wrdreg s18  }
0xb2: {  	[dreg:$0x5] =	wrdreg $0x9  }
0xb3: {  	_ =	task.clear_ibuf [dreg:s8], $0x6FFFF;
	_ =	strace $0x90000046  }
0xb4: {  	s29 =	simm.s32 $0x9;
	_ =	strace $0x80000048  }
0xb5: {  	_ =	swait.ge [sflag:s29], $0x1  }
0xb6: {  	[sflag:s29] =	ssyncadd.s32 $0xFFFFFFFF  }
0xb7: {  	_ =	strace $0x90000048  }
0xb8: {  	_ =	sfence  }
0xb9: {  	s30 =	sld [smem:$0x0];
	_ =	sdelay $0x2  }
0xba: {  	s31 =	sshll.u32 s1, $0xD;
	s1 =	sshrl.u32 s1, $0x2  }
0xbb: {  	s3 =	sand.u32 $0x4000, s31;
	s1 =	sadd.s32 s1, s30  }
0xbc: {  	s0 =	sor.u32 s3, s0;
	s1 =	sshll.u32 s1, $0x11  }
0xbd: {  	s0 =	sor.u32 s1, s0  }
0xbe: {  	s0 =	sadd.s32 $0x8F2B, s0  }
0xbf: {  	[sflag:s0] =	ssyncadd.remote.s32 $0x1  }
0xc0: {  	_ =	sfence.sel $0xFFFF  }
0xc1: {  	[dreg:$0x0] =	wrdreg $0xFFFFFFFF;
	(pc) =	sbr.abs _section_cstart, $3  }
0xc2: {  	[dreg:$0x1] =	wrdreg $0xFFFFFFFF  }
0xc3: {  	_ =	task.clear_ibuf [dreg:s8], $0x2FFFF;
	_ =	strace $0x9FFFFFFF  }
0xc4: {  	(tm) =	ssettm $0x7FFFFFFF  }
0xc5: {  	_ =	shalt  }
tec
execute0_lowered:
.L_overlay_start_1:
0x0: {  	(tag) =	ssettag $0x1  }
0x1: {  	s0 =	srdreg.scid;
	s1 =	rddreg [dreg:$0x0]  }
0x2: {  	s4 =	stileid.u32;
	s2 =	rddreg [dreg:$0x1]  }
0x3: {  	s7 =	rddreg [dreg:$0x2];
	s10 =	simm.s32 $0x400;
	s11 =	simm.s32 $0x3  }
0x4: {  	s13 =	simm.s32 $0x18500;
	s14 =	simm.s32 $0x7A1400;
	s15 =	simm.s32 $0x500  }
0x5: {  	s16 =	simm.s32 $0xC500;
	s0 =	sand.u32 $0x1, s0;
	s3 =	sshll.u32 s4, $0x1  }
0x6: {  	s17 =	simm.s32 $0x0;
	s4 =	sshll.u32 s4, $0x7;
	s5 =	sor.u32 s0, s3  }
0x7: {  	s3 =	simm.s32 $0x0;
	s0 =	ssub.s32 $0x2, s0;
	s6 =	sshll.u32 s5, $0x4  }
0x8: {  	[smem:$0x7FF] =	sst s3;
	s8 =	sshrl.u32 s0, $0x1;
	s31 =	sshll.u32 s5, $0x6  }
0x9: {  	v0 =	vlaneseq.u32;
	s4 =	sor.u32 s4, s6;
	_ =	strace $0x80000047;
	s0 =	ssub.s32 s0, s8  }
0xa: {  	v1 =	vmul.u32 $0x80, v0;
	s7 =	sadd.s32 s7, s31;
	s4 =	sand.u32 $0x670, s4;
	s8 =	smax.u32 s0, $0x1  }
0xb: {  	s0 =	simm.s32 $0x2;
	s30 =	sadd.s32 s4, s1;
	s4 =	sadd.s32 $0x400, s1  }
0xc: {  	v2 =	vor.u32 $0x800, v1;
	s1 =	simm.s32 $0x1;
	s5 =	sadd.s32 $0x600, s30;
	s6 =	sadd.s32 $0xE00, s30  }
.LBB2_1:
0xd: {  	s9 =	simm.s32 $0x80  }
0xe: {  	[tilespmem:s3], [sflag:$0x3] =	stream.strided.gather [hbm4b:s5+s9], $0x200, s10, s9, $0x38;
	[tilespmem:$0x18F00] =	vst v63  }
0xf: {  	_ =	swait.ge [sflag:s11], $0x200  }
0x10: {  	[sflag:s11] =	ssyncset.done $0x0  }
0x11: {  	s12 =	simm.s32 $0x280;
	[sflag:s11] =	ssyncadd.s32 $0xFFFFFE00  }
0x12: {  	[tilespmem:s12], [sflag:$0x3] =	stream.strided.gather [hbm4b:s6+s9], $0x200, s10, s9, $0x38;
	[tilespmem:$0x18F00] =	vst v63  }
0x13: {  	_ =	swait.ge [sflag:s11], $0x200  }
0x14: {  	[sflag:s11] =	ssyncset.done $0x0  }
0x15: {  	[sflag:s11] =	ssyncadd.s32 $0xFFFFFE00  }
0x16: {  	[tilespmem:s13], [sflag:$0x3] =	stream.linear.gather [hbm4b:s4+s3], $0x800, $0x38;
	[tilespmem:$0x18F00] =	vst v63  }
0x17: {  	_ =	swait.ge [sflag:s11], $0x800  }
0x18: {  	[sflag:s11] =	ssyncset.done $0x0  }
0x19: {  	[sflag:s11] =	ssyncadd.s32 $0xFFFFF800  }
0x1a: {  	v3 =	vld [tilespmem:$0x0];
	_ =	sdelay $0x1  }
0x1b: {  	v4 =	vld [tilespmem:$0x280];
	_ =	sdelay $0x2  }
0x1c: {  	v3 =	vshra.s32 v3, $0x7  }
0x1d: {  	vm0 =	vlt.s32 v3, $0x1E83  }
0x1e: {  	v4 =	vshra.s32 v4, $0x7;
	v3 =	vnsel vm0, $0x1E83, v3  }
0x1f: {  	vm13 =	vlt.s32 v4, $0x1E83;
	v3 =	vshll.u32 v3, $0x7  }
0x20: {  	v4 =	vnsel vm13, $0x1E83, v4;
	v3 =	vadd.s32 s2, v3  }
0x21: {  	v4 =	vshll.u32 v4, $0x7;
	(v2sf) =	vpush v3, $0x0  }
0x22: {  	v4 =	vadd.s32 s2, v4  }
0x23: {  	(v2sf) =	vpush v4, $0x0;
	_ =	sdelay $0x1  }
0x24: {  	(v2sf) =	vpush v3, $0x1;
	_ =	sdelay $0x1  }
0x25: {  	(v2sf) =	vpush v4, $0x1;
	_ =	sdelay $0x1  }
0x26: {  	(v2sf) =	vpush v3, $0x2;
	_ =	sdelay $0x1  }
0x27: {  	(v2sf) =	vpush v4, $0x2;
	_ =	sdelay $0x1  }
0x28: {  	(v2sf) =	vpush v3, $0x3;
	_ =	sdelay $0x1  }
0x29: {  	(v2sf) =	vpush v4, $0x3  }
0x2a: {  	s18 =	spop (v2sf)  }
0x2b: {  	[tilespmem:s15], [sflag:$0x1] =	stream.strided.gather [hbm4b:s18+s10], $0x1000, s14, s10, $0x38;
	[tilespmem:$0x18F00] =	vst v63  }
0x2c: {  	s31 =	spop (v2sf)  }
0x2d: {  	[tilespmem:s16], [sflag:$0x2] =	stream.strided.gather [hbm4b:s31+s10], $0x1000, s14, s10, $0x38;
	[tilespmem:$0x18F00] =	vst v63  }
0x2e: {  	s12 =	simm.s32 $0x1500;
	s9 =	spop (v2sf)  }
0x2f: {  	[tilespmem:s12], [sflag:$0x1] =	stream.strided.gather [hbm4b:s9+s10], $0x1000, s14, s10, $0x38;
	[tilespmem:$0x18F00] =	vst v63  }
0x30: {  	s20 =	simm.s32 $0xD500;
	s19 =	spop (v2sf)  }
0x31: {  	[tilespmem:s20], [sflag:$0x2] =	stream.strided.gather [hbm4b:s19+s10], $0x1000, s14, s10, $0x38;
	[tilespmem:$0x18F00] =	vst v63  }
0x32: {  	s22 =	simm.s32 $0x2500;
	s21 =	spop (v2sf)  }
0x33: {  	[tilespmem:s22], [sflag:$0x1] =	stream.strided.gather [hbm4b:s21+s10], $0x1000, s14, s10, $0x38;
	[tilespmem:$0x18F00] =	vst v63  }
0x34: {  	s24 =	simm.s32 $0xE500;
	s23 =	spop (v2sf)  }
0x35: {  	[tilespmem:s24], [sflag:$0x2] =	stream.strided.gather [hbm4b:s23+s10], $0x1000, s14, s10, $0x38;
	[tilespmem:$0x18F00] =	vst v63  }
0x36: {  	s26 =	simm.s32 $0x3500;
	s25 =	spop (v2sf)  }
0x37: {  	[tilespmem:s26], [sflag:$0x1] =	stream.strided.gather [hbm4b:s25+s10], $0x1000, s14, s10, $0x38;
	[tilespmem:$0x18F00] =	vst v63  }
0x38: {  	s29 =	simm.s32 $0xF500;
	s28 =	spop (v2sf)  }
0x39: {  	[tilespmem:s29], [sflag:$0x2] =	stream.strided.gather [hbm4b:s28+s10], $0x1000, s14, s10, $0x38;
	[tilespmem:$0x18F00] =	vst v63  }
0x3a: {  	v3 =	vld [tilespmem:$0x4];
	_ =	sdelay $0x1  }
0x3b: {  	v4 =	vld [tilespmem:$0x284];
	_ =	sdelay $0x2  }
0x3c: {  	v3 =	vshra.s32 v3, $0x7  }
0x3d: {  	vm14 =	vlt.s32 v3, $0x1E83  }
0x3e: {  	v4 =	vshra.s32 v4, $0x7;
	v3 =	vnsel vm14, $0x1E83, v3  }
0x3f: {  	vm15 =	vlt.s32 v4, $0x1E83;
	v3 =	vshll.u32 v3, $0x7  }
0x40: {  	v4 =	vnsel vm15, $0x1E83, v4;
	v3 =	vadd.s32 s2, v3  }
0x41: {  	v4 =	vshll.u32 v4, $0x7;
	(v2sf) =	vpush v3, $0x0  }
0x42: {  	v4 =	vadd.s32 s2, v4  }
0x43: {  	(v2sf) =	vpush v4, $0x0;
	_ =	sdelay $0x1  }
0x44: {  	(v2sf) =	vpush v3, $0x1;
	_ =	sdelay $0x1  }
0x45: {  	(v2sf) =	vpush v4, $0x1;
	_ =	sdelay $0x1  }
0x46: {  	(v2sf) =	vpush v3, $0x2;
	_ =	sdelay $0x1  }
0x47: {  	(v2sf) =	vpush v4, $0x2;
	_ =	sdelay $0x1  }
0x48: {  	(v2sf) =	vpush v3, $0x3;
	_ =	sdelay $0x1  }
0x49: {  	(v2sf) =	vpush v4, $0x3  }
0x4a: {  	s31 =	simm.s32 $0x4500;
	s30 =	spop (v2sf)  }
0x4b: {  	[tilespmem:s31], [sflag:$0x1] =	stream.strided.gather [hbm4b:s30+s10], $0x1000, s14, s10, $0x38;
	[tilespmem:$0x18F00] =	vst v63  }
0x4c: {  	s12 =	simm.s32 $0x10500;
	s9 =	spop (v2sf)  }
0x4d: {  	[tilespmem:s12], [sflag:$0x2] =	stream.strided.gather [hbm4b:s9+s10], $0x1000, s14, s10, $0x38;
	[tilespmem:$0x18F00] =	vst v63  }
0x4e: {  	s20 =	simm.s32 $0x5500;
	s19 =	spop (v2sf)  }
0x4f: {  	[tilespmem:s20], [sflag:$0x1] =	stream.strided.gather [hbm4b:s19+s10], $0x1000, s14, s10, $0x38;
	[tilespmem:$0x18F00] =	vst v63  }
0x50: {  	s18 =	simm.s32 $0x8;
	s22 =	simm.s32 $0x11500;
	s21 =	spop (v2sf)  }
0x51: {  	[tilespmem:s22], [sflag:$0x2] =	stream.strided.gather [hbm4b:s21+s10], $0x1000, s14, s10, $0x38;
	[tilespmem:$0x18F00] =	vst v63  }
0x52: {  	s24 =	simm.s32 $0x6500;
	s26 =	simm.s32 $0x12500;
	s23 =	spop (v2sf)  }
0x53: {  	[tilespmem:s24], [sflag:$0x1] =	stream.strided.gather [hbm4b:s23+s10], $0x1000, s14, s10, $0x38;
	[tilespmem:$0x18F00] =	vst v63  }
0x54: {  	s29 =	simm.s32 $0x7500;
	s31 =	simm.s32 $0x13500;
	s25 =	spop (v2sf)  }
0x55: {  	[tilespmem:s26], [sflag:$0x2] =	stream.strided.gather [hbm4b:s25+s10], $0x1000, s14, s10, $0x38;
	[tilespmem:$0x18F00] =	vst v63  }
0x56: {  	s19 =	simm.s32 $0x288;
	s20 =	simm.s32 $0x18CF4;
	s28 =	spop (v2sf)  }
0x57: {  	[tilespmem:s29], [sflag:$0x1] =	stream.strided.gather [hbm4b:s28+s10], $0x1000, s14, s10, $0x38;
	[tilespmem:$0x18F00] =	vst v63  }
0x58: {  	s30 =	spop (v2sf);
	s21 =	simm.s32 $0x0;
	s22 =	simm.s32 $0x0  }
0x59: {  	v3 =	vimm.f32 $0.0e+00;
	[tilespmem:s31], [sflag:$0x2] =	stream.strided.gather [hbm4b:s30+s10], $0x1000, s14, s10, $0x38;
	[tilespmem:$0x18F00] =	vst v63  }
.LBB2_2:
0x5a: {  	p0 =	sgt.u32 s22, $0x7D  }
0x5b: {  	v4 =	vld @!p0 [tilespmem:s18+$0x0];
	_ =	sdelay $0x2  }
0x5c: {  	v5 =	vld @!p0 [tilespmem:s19+$0x0];
	_ =	sdelay $0x1  }
0x5d: {  	v4 =	vshra.s32 @!p0 v4, $0x7  }
0x5e: {  	vm0 =	vlt.s32 @!p0 v4, $0x1E83  }
0x5f: {  	v4 =	vnsel @!p0 vm0, $0x1E83, v4  }
0x60: {  	v5 =	vshra.s32 @!p0 v5, $0x7;
	v4 =	vshll.u32 @!p0 v4, $0x7  }
0x61: {  	vm0 =	vlt.s32 @!p0 v5, $0x1E83;
	v4 =	vadd.s32 @!p0 s2, v4  }
0x62: {  	v5 =	vnsel @!p0 vm0, $0x1E83, v5;
	(v2sf) =	vpush @!p0 v4, $0x0  }
0x63: {  	v5 =	vshll.u32 @!p0 v5, $0x7  }
0x64: {  	v5 =	vadd.s32 @!p0 s2, v5  }
0x65: {  	(v2sf) =	vpush @!p0 v5, $0x0;
	_ =	sdelay $0x1  }
0x66: {  	(v2sf) =	vpush @!p0 v4, $0x1  }
0x67: {  	s23 =	sadd.s32 @!p0 $0x2, s22  }
0x68: {  	s24 =	smul.u32 @!p0 $0xAB, s23;
	(v2sf) =	vpush @!p0 v5, $0x1;
	_ =	sdelay $0x1  }
0x69: {  	s24 =	sshrl.u32 @!p0 s24, $0x9;
	(v2sf) =	vpush @!p0 v4, $0x2  }
0x6a: {  	s24 =	sand.u32 @!p0 $0x7F, s24  }
0x6b: {  	s24 =	smul.u32 @!p0 $0x3, s24;
	(v2sf) =	vpush @!p0 v5, $0x2;
	_ =	sdelay $0x1  }
0x6c: {  	s23 =	ssub.s32 @!p0 s23, s24;
	(v2sf) =	vpush @!p0 v4, $0x3  }
0x6d: {  	s23 =	sand.u32 @!p0 $0xFF, s23  }
0x6e: {  	s23 =	sshll.u32 @!p0 s23, $0xE;
	s24 =	spop @!p0 (v2sf);
	(v2sf) =	vpush @!p0 v5, $0x3  }
0x6f: {  	s26 =	simm.s32 @!p0 $0x400;
	s28 =	simm.s32 @!p0 $0x7A1400;
	s25 =	sor.u32 @!p0 $0x500, s23  }
0x70: {  	[tilespmem:s25], [sflag:$0x1] =	stream.strided.gather @!p0 [hbm4b:s24+s26], $0x1000, s28, s26, $0x38;
	[tilespmem:$0x18F00] =	vst v63  }
0x71: {  	s24 =	spop @!p0 (v2sf);
	s25 =	sadd.s32 @!p0 $0xC500, s23  }
0x72: {  	[tilespmem:s25], [sflag:$0x2] =	stream.strided.gather @!p0 [hbm4b:s24+s26], $0x1000, s28, s26, $0x38;
	[tilespmem:$0x18F00] =	vst v63  }
0x73: {  	s24 =	spop @!p0 (v2sf);
	s25 =	sor.u32 @!p0 $0x1500, s23  }
0x74: {  	[tilespmem:s25], [sflag:$0x1] =	stream.strided.gather @!p0 [hbm4b:s24+s26], $0x1000, s28, s26, $0x38;
	[tilespmem:$0x18F00] =	vst v63  }
0x75: {  	s24 =	spop @!p0 (v2sf);
	s25 =	sadd.s32 @!p0 $0xD500, s23  }
0x76: {  	[tilespmem:s25], [sflag:$0x2] =	stream.strided.gather @!p0 [hbm4b:s24+s26], $0x1000, s28, s26, $0x38;
	[tilespmem:$0x18F00] =	vst v63  }
0x77: {  	s24 =	sor.u32 @!p0 $0x2500, s23;
	s25 =	spop @!p0 (v2sf)  }
0x78: {  	[tilespmem:s24], [sflag:$0x1] =	stream.strided.gather @!p0 [hbm4b:s25+s26], $0x1000, s28, s26, $0x38;
	[tilespmem:$0x18F00] =	vst v63  }
0x79: {  	s24 =	sadd.s32 @!p0 $0xE500, s23;
	s25 =	spop @!p0 (v2sf)  }
0x7a: {  	[tilespmem:s24], [sflag:$0x2] =	stream.strided.gather @!p0 [hbm4b:s25+s26], $0x1000, s28, s26, $0x38;
	[tilespmem:$0x18F00] =	vst v63  }
0x7b: {  	s24 =	sor.u32 @!p0 $0x3500, s23;
	s25 =	spop @!p0 (v2sf)  }
0x7c: {  	[tilespmem:s24], [sflag:$0x1] =	stream.strided.gather @!p0 [hbm4b:s25+s26], $0x1000, s28, s26, $0x38;
	[tilespmem:$0x18F00] =	vst v63  }
0x7d: {  	s23 =	sadd.s32 @!p0 $0xF500, s23;
	s24 =	spop @!p0 (v2sf)  }
0x7e: {  	[tilespmem:s23], [sflag:$0x2] =	stream.strided.gather @!p0 [hbm4b:s24+s26], $0x1000, s28, s26, $0x38;
	[tilespmem:$0x18F00] =	vst v63  }
0x7f: {  	_ =	swait.ge [sflag:s1], $0x4000  }
0x80: {  	s31 =	smul.u32 $0xAB, s22;
	[sflag:s1] =	ssyncset.done $0x0  }
0x81: {  	[sflag:s1] =	ssyncadd.s32 $0xFFFFC000  }
0x82: {  	s23 =	sshrl.u32 s31, $0x9;
	_ =	swait.ge [sflag:s0], $0x4000  }
0x83: {  	s23 =	sand.u32 $0x7F, s23;
	[sflag:s0] =	ssyncset.done $0x0  }
0x84: {  	s23 =	smul.u32 $0x3, s23;
	[sflag:s0] =	ssyncadd.s32 $0xFFFFC000  }
0x85: {  	v9 =	vld [tilespmem:s18+$0xFFFFFFF8]  }
0x86: {  	s23 =	ssub.s32 s22, s23  }
0x87: {  	s23 =	sand.u32 $0xFF, s23;
	v10 =	vld [tilespmem:s19+$0xFFFFFFF8]  }
0x88: {  	s9 =	sshll.u32 s23, $0x7  }
0x89: {  	v6 =	vmov s9;
	s31 =	sor.u32 $0x20, s9  }
0x8a: {  	v52 =	vmov s31;
	s31 =	sor.u32 $0x40, s9;
	(v2sf) =	vpush v9, $0x0;
	v4 =	vshra.s32 v9, $0x7  }
0x8b: {  	v53 =	vshll.u32 v52, $0x7;
	v35 =	vmov s31;
	vm10 =	vlt.s32 v4, $0x1E83  }
0x8c: {  	v5 =	vshra.s32 v10, $0x7;
	(v2sf) =	vpush v10, $0x0;
	v4 =	vnsel vm10, $0x1E83, v4  }
0x8d: {  	v21 =	vor.u32 v1, v53;
	vm11 =	vlt.s32 v5, $0x1E83;
	v4 =	vshll.u32 v4, $0x7  }
0x8e: {  	(v2sf) =	vpush v9, $0x1;
	v5 =	vnsel vm11, $0x1E83, v5;
	v7 =	vsub.s32 v9, v4  }
0x8f: {  	(v2sf) =	vpush v10, $0x1;
	v4 =	vshll.u32 v5, $0x7;
	v8 =	vbroadcast v7, $0x0  }
0x90: {  	v5 =	vsub.s32 v10, v4;
	v4 =	vshll.u32 v6, $0x7;
	v16 =	vbroadcast v7, $0x1  }
0x91: {  	v36 =	vbroadcast v7, $0x2;
	v48 =	vbroadcast v5, $0x0;
	v12 =	vor.u32 v1, v4  }
0x92: {  	v4 =	vor.u32 v2, v4;
	v19 =	vbroadcast v5, $0x1;
	v24 =	vbroadcast v5, $0x2  }
0x93: {  	v11 =	vand.u32 $0xFFFFFF80, v8;
	v8 =	vand.u32 $0x7F, v8;
	v20 =	vand.u32 $0xFFFFFF80, v16  }
0x94: {  	v16 =	vand.u32 $0x7F, v16;
	v25 =	vand.u32 $0xFFFFFF80, v36;
	v13 =	vadd.s32 v12, v11  }
0x95: {  	v11 =	vadd.s32 v4, v11;
	v49 =	vand.u32 $0xFFFFFF80, v48;
	v13 =	vor.u32 v8, v13  }
0x96: {  	v6 =	vand.u32 $0x7F, v48;
	v56 =	vadd.s32 v21, v20;
	v59 =	vand.u32 $0xFFFFFF80, v19  }
0x97: {  	v19 =	vand.u32 $0x7F, v19;
	v28 =	vand.u32 $0xFFFFFF80, v24;
	v24 =	vand.u32 $0x7F, v24  }
0x98: {  	v8 =	vor.u32 v8, v11;
	v12 =	vadd.s32 v12, v49;
	v4 =	vadd.s32 v4, v49  }
0x99: {  	v11 =	vor.u32 v16, v56;
	v60 =	vadd.s32 v21, v59;
	s23 =	spop (v2sf);
	(v2sf) =	vpush v9, $0x2  }
0x9a: {  	v21 =	vand.u32 $0x7F, v36;
	v51 =	vor.u32 v6, v4;
	v4 =	vld.idx.msk [tilespmem:v13+s15+$0x0], $0xffff;
	v13 =	vor.u32 v2, v53;
	s25 =	sadd.s32 $0xFFF0BE00, s23  }
0x9b: {  	v50 =	vor.u32 v6, v12;
	v20 =	vadd.s32 v13, v20;
	s24 =	spop (v2sf);
	(v2sf) =	vpush v10, $0x2;
	p0 =	sgt.s32 s25, $0x0  }
0x9c: {  	v13 =	vadd.s32 v13, v59;
	v58 =	vor.u32 v16, v20;
	v20 =	vshll.u32 v35, $0x7;
	s26 =	sadd.s32 $0xFFF0BE00, s24;
	s25 =	simm.s32 @!p0 $0x0  }
0x9d: {  	v13 =	vor.u32 v19, v13;
	v26 =	vor.u32 v1, v20;
	v20 =	vor.u32 v2, v20;
	p0 =	sgt.s32 s26, $0x0;
	s25 =	smin.u32 s25, $0x3F  }
0x9e: {  	v54 =	vld.idx.msk [tilespmem:v8+s15+$0x0], $0xffff;
	v27 =	vadd.s32 v26, v25;
	v25 =	vadd.s32 v20, v25;
	v37 =	vadd.s32 v26, v28;
	s26 =	simm.s32 @!p0 $0x0;
	s25 =	sshll.u32 s25, $0x5  }
0x9f: {  	v11 =	vld.idx.msk [tilespmem:v11+s15+$0x0], $0xffff;
	v27 =	vor.u32 v21, v27;
	s26 =	smin.u32 s26, $0x3F;
	s29 =	sor.u32 $0x10, s25;
	v14 =	vor.u32 s25, v0;
	s25 =	spop (v2sf);
	(v2sf) =	vpush v9, $0x3  }
0xa0: {  	v55 =	vld.idx.msk [tilespmem:v50+s16+$0x0], $0xffff;
	v20 =	vadd.s32 v20, v28;
	v21 =	vor.u32 v21, v25;
	v25 =	vor.u32 v24, v37;
	s26 =	sshll.u32 s26, $0x5  }
0xa1: {  	v57 =	vld.idx.msk [tilespmem:v51+s16+$0x0], $0xffff;
	v15 =	vor.u32 s29, v0;
	s30 =	sor.u32 $0x10, s26;
	v17 =	vor.u32 s26, v0;
	s29 =	sadd.s32 $0xFFF0BE00, s25;
	s26 =	spop (v2sf);
	(v2sf) =	vpush v10, $0x3  }
0xa2: {  	v20 =	vor.u32 v24, v20;
	v12 =	vld.idx.msk [tilespmem:v58+s15+$0x0], $0xffff;
	p0 =	sgt.s32 s29, $0x0  }
0xa3: {  	v13 =	vld.idx.msk [tilespmem:v13+s16+$0x0], $0xffff;
	v18 =	vor.u32 s30, v0;
	s30 =	sadd.s32 $0xFFF0BE00, s26;
	s29 =	simm.s32 @!p0 $0x0  }
0xa4: {  	p0 =	sgt.s32 s30, $0x0;
	v27 =	vld.idx.msk [tilespmem:v27+s15+$0x0], $0xffff;
	s29 =	smin.u32 s29, $0x3F  }
0xa5: {  	v21 =	vld.idx.msk [tilespmem:v21+s15+$0x0], $0xffff;
	s30 =	simm.s32 @!p0 $0x0;
	s29 =	sshll.u32 s29, $0x5  }
0xa6: {  	v25 =	vld.idx.msk [tilespmem:v25+s16+$0x0], $0xffff;
	s30 =	smin.u32 s30, $0x3F;
	v33 =	vor.u32 s29, v0;
	s29 =	sor.u32 $0x10, s29  }
0xa7: {  	s28 =	sor.u32 $0x60, s9;
	v20 =	vld.idx.msk [tilespmem:v20+s16+$0x0], $0xffff;
	s30 =	sshll.u32 s30, $0x5;
	v34 =	vor.u32 s29, v0  }
0xa8: {  	v40 =	vmov s28;
	v7 =	vbroadcast v7, $0x3;
	v62 =	vor.u32 v19, v60;
	v14 =	vld.idx.msk [tilespmem:v14+s13+$0x0], $0xffff;
	s12 =	sor.u32 $0x10, s30;
	s29 =	spop (v2sf)  }
0xa9: {  	v5 =	vbroadcast v5, $0x3;
	v28 =	vshll.u32 v40, $0x7;
	v61 =	vld.idx.msk [tilespmem:v15+s13+$0x0], $0xffff;
	v23 =	vor.u32 s12, v0;
	s12 =	sadd.s32 $0xFFF0BE00, s29  }
0xaa: {  	v31 =	vand.u32 $0xFFFFFF80, v7;
	v32 =	vor.u32 v1, v28;
	v63 =	vld.idx.msk [tilespmem:v17+s13+$0x0], $0xffff;
	v22 =	vor.u32 s30, v0;
	s30 =	spop (v2sf);
	p0 =	sgt.s32 s12, $0x0  }
0xab: {  	v7 =	vand.u32 $0x7F, v7;
	v28 =	vor.u32 v2, v28;
	s31 =	sadd.s32 $0xFFF0BE00, s30;
	v17 =	vld.idx.msk [tilespmem:v33+s13+$0x0], $0xffff;
	v33 =	vadd.s32 v32, v31;
	s12 =	simm.s32 @!p0 $0x0  }
0xac: {  	v31 =	vadd.s32 v28, v31;
	p0 =	sgt.s32 s31, $0x0;
	v19 =	vld.idx.msk [tilespmem:v34+s13+$0x0], $0xffff;
	v33 =	vor.u32 v7, v33;
	v34 =	vand.u32 $0xFFFFFF80, v5;
	s12 =	smin.u32 s12, $0x3F  }
0xad: {  	v15 =	vld.idx.msk [tilespmem:v62+s16+$0x0], $0xffff;
	v7 =	vor.u32 v7, v31;
	v5 =	vand.u32 $0x7F, v5;
	s31 =	simm.s32 @!p0 $0x0;
	v41 =	vadd.s32 v32, v34;
	s12 =	sshll.u32 s12, $0x5  }
0xae: {  	v18 =	vld.idx.msk [tilespmem:v18+s13+$0x0], $0xffff;
	v28 =	vadd.s32 v28, v34;
	s31 =	smin.u32 s31, $0x3F;
	v31 =	vor.u32 v5, v41;
	v38 =	vor.u32 s12, v0;
	s12 =	sor.u32 $0x10, s12;
	s28 =	spop (v2sf)  }
0xaf: {  	v22 =	vld.idx.msk [tilespmem:v22+s13+$0x0], $0xffff;
	v5 =	vor.u32 v5, v28;
	s31 =	sshll.u32 s31, $0x5;
	v39 =	vor.u32 s12, v0;
	s12 =	sadd.s32 $0xFFF0BE00, s28  }
0xb0: {  	v23 =	vld.idx.msk [tilespmem:v23+s13+$0x0], $0xffff;
	s9 =	sor.u32 $0x10, s31;
	v29 =	vor.u32 s31, v0;
	s31 =	spop (v2sf);
	p0 =	sgt.s32 s12, $0x0  }
0xb1: {  	v30 =	vor.u32 s9, v0;
	s9 =	sadd.s32 $0xFFF0BE00, s31;
	v33 =	vld.idx.msk [tilespmem:v33+s15+$0x0], $0xffff;
	s12 =	simm.s32 @!p0 $0x0  }
0xb2: {  	v7 =	vld.idx.msk [tilespmem:v7+s15+$0x0], $0xffff;
	p0 =	sgt.s32 s9, $0x0;
	s12 =	smin.u32 s12, $0x3F  }
0xb3: {  	s9 =	simm.s32 @!p0 $0x0;
	v31 =	vld.idx.msk [tilespmem:v31+s16+$0x0], $0xffff;
	s12 =	sshll.u32 s12, $0x5  }
0xb4: {  	v5 =	vld.idx.msk [tilespmem:v5+s16+$0x0], $0xffff;
	s9 =	smin.u32 s9, $0x3F;
	v43 =	vor.u32 s12, v0;
	s12 =	sor.u32 $0x10, s12  }
0xb5: {  	v24 =	vld.idx.msk [tilespmem:v38+s13+$0x0], $0xffff;
	s9 =	sshll.u32 s9, $0x5;
	v44 =	vor.u32 s12, v0  }
0xb6: {  	v26 =	vld.idx.msk [tilespmem:v39+s13+$0x0], $0xffff;
	v45 =	vor.u32 s9, v0;
	s9 =	sor.u32 $0x10, s9  }
0xb7: {  	p6 =	sgt.s32 s23, $0xF41FF;
	v29 =	vld.idx.msk [tilespmem:v29+s13+$0x0], $0xffff;
	v35 =	vor.u32 s9, v0  }
0xb8: {  	p1 =	sgt.s32 s24, $0xF41FF;
	v4 =	vpsel p6, v14, v4;
	v42 =	vld.idx.msk [tilespmem:v30+s13+$0x0], $0xffff  }
0xb9: {  	v6 =	vpsel p6, v61, v54;
	v8 =	vpsel p1, v63, v55;
	v9 =	vpsel p1, v18, v57;
	p1 =	sgt.s32 s25, $0xF41FF;
	v46 =	vld.idx.msk [tilespmem:v43+s13+$0x0], $0xffff  }
0xba: {  	p2 =	sgt.s32 s26, $0xF41FF;
	v4 =	vmul.f32 v8, v4;
	v6 =	vmul.f32 v9, v6;
	v47 =	vpsel p1, v17, v11;
	v48 =	vld.idx.msk [tilespmem:v44+s13+$0x0], $0xffff  }
0xbb: {  	v49 =	vpsel p1, v19, v12;
	v50 =	vpsel p2, v22, v15;
	v13 =	vpsel p2, v23, v13;
	v51 =	vld.idx.msk [tilespmem:v45+s13+$0x0], $0xffff  }
0xbc: {  	v8 =	vmul.f32 v50, v47;
	v11 =	vmul.f32 v13, v49;
	v52 =	vld.idx.msk [tilespmem:v35+s13+$0x0], $0xffff  }
0xbd: {  	p3 =	sgt.s32 s29, $0xF41FF  }
0xbe: {  	p4 =	sgt.s32 s30, $0xF41FF;
	v4 =	vadd.f32 v6, v4;
	v53 =	vadd.f32 v11, v8;
	v54 =	vpsel p3, v24, v27  }
0xbf: {  	p5 =	sgt.s32 s28, $0xF41FF;
	v55 =	vpsel p3, v26, v21;
	v56 =	vpsel p4, v29, v25;
	v57 =	vpsel p4, v42, v20  }
0xc0: {  	p6 =	sgt.s32 s31, $0xF41FF;
	v8 =	vmul.f32 v56, v54;
	v11 =	vmul.f32 v57, v55;
	v10 =	vpsel p5, v46, v33  }
0xc1: {  	v7 =	vpsel p5, v48, v7;
	v58 =	vpsel p6, v51, v31;
	v5 =	vpsel p6, v52, v5  }
0xc2: {  	(xrf2) =	vadd.scan.msk.f32 $0xffff, v4;
	v4 =	vmul.f32 v58, v10;
	v5 =	vmul.f32 v5, v7  }
0xc3: {  	(xrf2) =	vadd.scan.msk.f32 $0xffff, v53;
	v59 =	vadd.f32 v11, v8  }
0xc4: {  	v4 =	vadd.f32 v5, v4  }
0xc5: {  	(xrf2) =	vadd.scan.msk.f32 $0xffff, v59  }
0xc6: {  	(xrf2) =	vadd.scan.msk.f32 $0xffff, v4;
	_ =	sdelay $0x5  }
0xc7: {  	s28 =	sand.u32 $0xC, s21;
	v4, _, _ =	vpop (xrf2)  }
0xc8: {  	v60 =	vmov s28;
	s29 =	sor.u32 $0x1, s28;
	v5, _, _ =	vpop (xrf2);
	v4 =	vbroadcast v4, $0xF  }
0xc9: {  	vm12 =	veq.s32 v60, v0;
	v61 =	vmov s29;
	v5 =	vbroadcast v5, $0xF  }
0xca: {  	s30 =	sor.u32 $0x2, s28;
	vm13 =	veq.s32 v61, v0;
	v62, _, _ =	vpop (xrf2);
	v3 =	vsel vm12, v4, v3  }
0xcb: {  	s9 =	sor.u32 $0x3, s28;
	v4 =	vmov s30;
	v3 =	vsel vm13, v5, v3;
	v5 =	vbroadcast v62, $0xF;
	v63, _, _ =	vpop (xrf2)  }
0xcc: {  	vm14 =	veq.s32 v4, v0;
	v4 =	vmov s9;
	v6 =	vbroadcast v63, $0xF  }
0xcd: {  	s31 =	sand.u32 $0x3, s22;
	vm15 =	veq.s32 v4, v0;
	v3 =	vsel vm14, v5, v3  }
0xce: {  	p0 =	sne.s32 s31, $0x3;
	v3 =	vsel vm15, v6, v3  }
0xcf: {  	v4 =	vsub.f32 @!p0 $0.0e+00, v3;
	_ =	sdelay $0x1  }
0xd0: {  	v4 =	vmul.f32 @!p0 $1.442695020e+00, v4;
	_ =	sdelay $0x1  }
0xd1: {  	(erf) = vpow2.f32 @!p0 v4;
	_ =	sdelay $0x8  }
0xd2: {  	v4 =	vpop @!p0 (erf)  }
0xd3: {  	v4 =	vadd.f32 @!p0 $1.000000000e+00, v4;
	_ =	sdelay $0x1  }
0xd4: {  	(erf) = vrcp.f32 @!p0 v4;
	_ =	sdelay $0x8  }
0xd5: {  	s22 =	sadd.s32 $0x1, s22;
	v4 =	vpop @!p0 (erf)  }
0xd6: {  	[tilespmem:s20+$0x0] =	vst @!p0 v4;
	p0 =	sne.s32 s22, $0x80  }
.Ltmp0:
0xd7: {  	_ = 	snop;
	(pc) =	sbr.rel @p0 .LBB2_2-.Ltmp0, $3  }
0xd8: {  	_ =	sdelay $0x1  }
0xd9: {  	s18 =	sadd.s32 $0x4, s18  }
0xda: {  	s19 =	sadd.s32 $0x4, s19;
	s21 =	sadd.s32 $0x4, s21;
	s20 =	sadd.s32 $0x4, s20  }
0xdb: {  	s17 =	sadd.s32 $0x1, s17  }
0xdc: {  	p0 =	sne.s32 s17, s8  }
.Ltmp1:
0xdd: {  	s9 =	simm.s32 $0x18D00;
	(pc) =	sbr.rel @p0 .LBB2_1-.Ltmp1, $4  }
0xde: {  	[hbm4b:s7+s3] =	stream.linear.scatter [tilespmem:s9], [sflag:$0x3], $0x200, $0x38;
	[tilespmem:$0x18F00] =	vst v63  }
0xdf: {  	_ =	swait.ge [sflag:s11], $0x200  }
0xe0: {  	[sflag:s11] =	ssyncset.done $0x0  }
0xe1: {  	[sflag:s11] =	ssyncadd.s32 $0xFFFFFE00  }
0xe2: {  	_ =	sfence.sel $0x180000  }
0xe3: {  	[bflag:$0x0] =	sbarrier.arrive $0xFFFF  }
0xe4: {  	_ =	strace $0x90000047  }
0xe5: {  	s0 =	stileid.u32;
	[bflag:$0x2] =	sbarrier.arrive $0xFFFF  }
0xe6: {  	p0 =	sne.s32 s0, $0x0;
	s0 =	rddreg [dreg:$0x3]  }
0xe7: {  	s0 =	sadd.s32 @!p0 $0x100000, s0  }
0xe8: {  	[sflag:s0] =	ssyncadd.tile.s32 @!p0 $0x1;
	_ =	shalt  }
.Lfunc_end2:
_tile_overlayer_lowered:
.L_overlay_start_2:
0xe9: {  	(tag) =	ssettag $0x2  }
0xea: {  	s0 =	rddreg [dreg:$0x0];
	s2 =	stileid.u32  }
0xeb: {  	s1 =	rddreg [dreg:$0x1];
	p0 =	sne.s32 s2, $0x0  }
0xec: {  	s3 =	rddreg [dreg:$0x2];
	[bflag:$0x3] =	sbarrier.arrive $0xFFFF;
	s2 =	simm.s32 @!p0 $0x1C03  }
0xed: {  	[timem:s3], [sflag:s2] =	dma.local @!p0 [hbm:s0], s1  }
0xee: {  	s0 =	simm.s32 @!p0 $0x3  }
0xef: {  	_ =	swait.ge @!p0 [sflag:s0], s1  }
0xf0: {  	s1 =	ssub.s32 @!p0 $0x0, s1;
	[sflag:s0] =	ssyncset.done @!p0 $0x0  }
0xf1: {  	[sflag:s0] =	ssyncadd.s32 @!p0 s1  }
0xf2: {  	[bflag:$0x3] =	sbarrier.arrive $0xFFFF  }
0xf3: {  	_ =	shalt  }

</sc_bundles>
